<compile_context>
chip_gen: v7x
topology: tpu7x:2x2x1
jax: 0.10.2.dev20260603
libtpu: 0.0.44.dev20260713+nightly
codegen_flags: <defaults>
</compile_context>

<pallas_src>
import dataclasses
import functools

import jax
import jax.numpy as jnp
from jax import lax
from jax.experimental import pallas as pl
from jax.experimental.pallas import tpu as pltpu
from jax.experimental.pallas import tpu_sc as plsc

N = 10000
E = 320000
D = 128
NC = 2
NS = 16
NW = NC * NS
E_SUB = E // NW
CHUNK = 96
CHUNKS = 104
TAIL = E_SUB - CHUNKS * CHUNK
TAIL_OFF = CHUNKS * CHUNK
NACC = 10112
ROWS_PER_SUB = NACC // NS

_mesh = plsc.VectorSubcoreMesh(core_axis_name="c", subcore_axis_name="s")

_cp = pltpu.CompilerParams()
if "needs_layout_passes" in pltpu.CompilerParams.__dataclass_fields__:
    _cp = dataclasses.replace(_cp, needs_layout_passes=False)


@functools.partial(
    pl.kernel,
    out_type=jax.ShapeDtypeStruct((NW, N), jnp.float32),
    mesh=_mesh,
    scratch_types=[
        pltpu.VMEM((E_SUB,), jnp.int32),
        pltpu.VMEM((N,), jnp.float32),
    ],
    compiler_params=_cp,
)
def _sc_degree_hist(dst_hbm, out_hbm, dstv, hist):
    wid = lax.axis_index("s") * NC + lax.axis_index("c")
    pltpu.sync_copy(dst_hbm.at[wid], dstv)

    @pl.loop(0, N, step=16)
    def _(i):
        hist[pl.ds(i, 16)] = jnp.zeros((16,), jnp.float32)

    ones = jnp.ones((16,), jnp.float32)

    @pl.loop(0, E_SUB, step=16)
    def _(i):
        idx = dstv[pl.ds(i, 16)]
        plsc.addupdate_scatter(hist, [idx], ones)

    pltpu.sync_copy(hist, out_hbm.at[wid])


@functools.partial(
    pl.kernel,
    out_type=jax.ShapeDtypeStruct((NC, NACC, D), jnp.float32),
    mesh=_mesh,
    scratch_types=[
        pltpu.VMEM((E_SUB,), jnp.int32),
        pltpu.VMEM((E_SUB,), jnp.int32),
        pltpu.VMEM((CHUNK, D), jnp.float32),
        pltpu.VMEM((CHUNK, D), jnp.float32),
        pltpu.VMEM((TAIL, D), jnp.float32),
        pltpu.VMEM_SHARED((NACC, D), jnp.float32),
        pltpu.SemaphoreType.DMA,
        pltpu.SemaphoreType.DMA,
    ],
)
def _sc_scatter_accum(
    src_hbm, dst_hbm, g_hbm, z_hbm, out_hbm,
    srcv, dstv, bufa, bufb, buft, acc, sema, semb,
):
    c = lax.axis_index("c")
    s = lax.axis_index("s")
    wid = s * NC + c
    pltpu.sync_copy(src_hbm.at[wid], srcv)
    pltpu.sync_copy(dst_hbm.at[wid], dstv)
    pltpu.sync_copy(z_hbm, acc.at[pl.ds(s * ROWS_PER_SUB, ROWS_PER_SUB)])
    plsc.subcore_barrier()

    pltpu.async_copy(g_hbm.at[srcv.at[pl.ds(0, CHUNK)]], bufa, sema)

    @pl.loop(0, CHUNKS, step=2)
    def _(j):
        pltpu.make_async_copy(
            g_hbm.at[srcv.at[pl.ds(j * CHUNK, CHUNK)]], bufa, sema
        ).wait()
        pltpu.async_copy(
            g_hbm.at[srcv.at[pl.ds((j + 1) * CHUNK, CHUNK)]], bufb, semb
        )
        pltpu.sync_copy(
            bufa, acc.at[dstv.at[pl.ds(j * CHUNK, CHUNK)]], add=True
        )
        pltpu.make_async_copy(
            g_hbm.at[srcv.at[pl.ds((j + 1) * CHUNK, CHUNK)]], bufb, semb
        ).wait()

        @pl.when(j + 2 < CHUNKS)
        def _():
            pltpu.async_copy(
                g_hbm.at[srcv.at[pl.ds((j + 2) * CHUNK, CHUNK)]], bufa, sema
            )

        pltpu.sync_copy(
            bufb, acc.at[dstv.at[pl.ds((j + 1) * CHUNK, CHUNK)]], add=True
        )

    pltpu.async_copy(g_hbm.at[srcv.at[pl.ds(TAIL_OFF, TAIL)]], buft, sema)
    pltpu.make_async_copy(g_hbm.at[srcv.at[pl.ds(TAIL_OFF, TAIL)]], buft, sema).wait()
    pltpu.sync_copy(buft, acc.at[dstv.at[pl.ds(TAIL_OFF, TAIL)]], add=True)

    plsc.subcore_barrier()
    pltpu.sync_copy(
        acc.at[pl.ds(s * ROWS_PER_SUB, ROWS_PER_SUB)],
        out_hbm.at[c, pl.ds(s * ROWS_PER_SUB, ROWS_PER_SUB)],
    )


def _tc_scale_body(degp_ref, h_ref, g_ref, dinv_ref):
    deg = jnp.sum(degp_ref[...], axis=0) + 1.0
    dinv = lax.rsqrt(deg)[:, None]
    dinv_ref[...] = dinv
    g_ref[...] = h_ref[...] * dinv


def _tc_scale(deg_part, h):
    return pl.pallas_call(
        _tc_scale_body,
        out_shape=[
            jax.ShapeDtypeStruct((N, D), jnp.float32),
            jax.ShapeDtypeStruct((N, 1), jnp.float32),
        ],
    )(deg_part, h)


def _tc_combine_body(sp_ref, g_ref, dinv_ref, w_ref, b_ref, out_ref):
    agg = sp_ref[0, :N] + sp_ref[1, :N] + g_ref[...]
    agg = agg * dinv_ref[...]
    out_ref[...] = (
        lax.dot_general(
            agg,
            w_ref[...],
            (((1,), (1,)), ((), ())),
            precision=lax.Precision.HIGHEST,
            preferred_element_type=jnp.float32,
        )
        + b_ref[...][None, :]
    )


def _tc_combine(s_part, g, dinv, w, b):
    return pl.pallas_call(
        _tc_combine_body,
        out_shape=jax.ShapeDtypeStruct((N, D), jnp.float32),
    )(s_part, g, dinv, w, b)


def kernel(H, edge_index, W, b):
    src = edge_index[0].reshape(NW, E_SUB)
    dst = edge_index[1].reshape(NW, E_SUB)
    zeros = jnp.zeros((ROWS_PER_SUB, D), jnp.float32)

    deg_part = _sc_degree_hist(dst)
    g, dinv = _tc_scale(deg_part, H)
    s_part = _sc_scatter_accum(src, dst, g, zeros)
    return _tc_combine(s_part, g, dinv, W, b)

# --- scband reference (transcript-rebuilt; emitter-appended) ---
"""Pipeline reference for scband-graph-conv-42417097015450 (READ-ONLY COPY).

The authoritative reference and input builder live on the scoring server;
editing this copy changes nothing except your own understanding.
"""

import jax, jax.numpy as jnp
import numpy as np

N_NODES = 10000
N_EDGES = 320000
D_IN = 128
D_OUT = 128


def setup_inputs(seed: int = 0) -> dict:
    key = jax.random.key(seed)
    k1, k2, k3, k4 = jax.random.split(key, 4)
    H = jax.random.normal(k1, (N_NODES, D_IN), dtype=jnp.float32)
    # A_hat nonzero structure (module __init__ arg), stored as COO edge list
    edge_index = jax.random.randint(k2, (2, N_EDGES), 0, N_NODES, dtype=jnp.int32)
    # nn.Linear parameters: W[out, in], b[out]
    bound = 1.0 / np.sqrt(D_IN)
    W = jax.random.uniform(k3, (D_OUT, D_IN), dtype=jnp.float32, minval=-bound, maxval=bound)
    b = jax.random.uniform(k4, (D_OUT,), dtype=jnp.float32, minval=-bound, maxval=bound)
    return {"H": H, "edge_index": edge_index, "W": W, "b": b}


def reference(H, edge_index, W, b):
    N = H.shape[0]
    src = edge_index[0]
    dst = edge_index[1]
    # A_hat = D^{-1/2} (A + I) D^{-1/2}: add self-loops, symmetric normalization
    loop = jnp.arange(N, dtype=src.dtype)
    src_full = jnp.concatenate([src, loop])
    dst_full = jnp.concatenate([dst, loop])
    deg = jax.ops.segment_sum(jnp.ones_like(dst_full, dtype=jnp.float32), dst_full, num_segments=N)
    dinv = jnp.where(deg > 0, 1.0 / jnp.sqrt(deg), 0.0)
    w = dinv[src_full] * dinv[dst_full]
    # sparse mm: H_agg = A_hat @ H  (gather rows by src, weight, scatter-add to dst)
    H_agg = jax.ops.segment_sum(w[:, None] * jnp.take(H, src_full, axis=0), dst_full, num_segments=N)
    # linear layer: H_agg @ W^T + b
    return H_agg @ W.T + b

if __name__ == "__main__":
    import jax
    _d = setup_inputs()
    print(jax.jit(kernel)(*tuple(_d.values())))

</pallas_src>

<mosaic_0001>
#map = affine_map<(d0, d1) -> (0, 0)>
module attributes {stable_mosaic.version = 14 : i64} {
  func.func @_sc_degree_hist(%arg0: i32, %arg1: i32, %arg2: memref<32x10000xi32, #tpu.memory_space<hbm>>, %arg3: memref<32x10000xf32, #tpu.memory_space<hbm>>, %arg4: memref<10000xi32, #tpu.memory_space<vmem>>, %arg5: memref<10000xf32, #tpu.memory_space<vmem>>) attributes {dimension_semantics = [#tpu.dimension_semantics<core_parallel>, #tpu.dimension_semantics<subcore_parallel>], iteration_bounds = array<i64: 2, 16>, scalar_prefetch = 0 : i64, scratch_operands = 2 : i64, tpu.core_type = #tpu.core_type<sc_vector_subcore>, window_params = [{transform_indices = #map}, {transform_indices = #map}]} {
    %mul3A = arith.constant 2 : i32
    %mul3A_0 = arith.muli %arg1, %mul3A : i32
    %add3A = arith.addi %mul3A_0, %arg0 : i32
    "tpu.region"() ({
      %run_scoped3A = tpu.sem_alloc : memref<!tpu.dma_semaphore, #tpu.memory_space<semaphore_mem>>
      %dma_start3A = arith.constant 0 : i32
      %dma_start3A_11 = tpu.memref_slice %arg2[%add3A, %dma_start3A] : memref<32x10000xi32, #tpu.memory_space<hbm>> -> memref<1x10000xi32, #tpu.memory_space<hbm>>
      %dma_start3A_12 = tpu.memref_squeeze %dma_start3A_11 : memref<1x10000xi32, #tpu.memory_space<hbm>> -> memref<10000xi32, #tpu.memory_space<hbm>>
      %dma_start3A_13 = arith.constant 0 : i32
      %dma_start3A_14 = tpu.memref_slice %arg2[%add3A, %dma_start3A_13] : memref<32x10000xi32, #tpu.memory_space<hbm>> -> memref<1x10000xi32, #tpu.memory_space<hbm>>
      %dma_start3A_15 = tpu.memref_squeeze %dma_start3A_14 : memref<1x10000xi32, #tpu.memory_space<hbm>> -> memref<10000xi32, #tpu.memory_space<hbm>>
      tpu.enqueue_dma source(%dma_start3A_15 : memref<10000xi32, #tpu.memory_space<hbm>>) target(%arg4 : memref<10000xi32, #tpu.memory_space<vmem>>) target_semaphore(%run_scoped3A : memref<!tpu.dma_semaphore, #tpu.memory_space<semaphore_mem>>)
      %dma_wait3A = arith.constant 0 : i32
      %dma_wait3A_16 = tpu.memref_slice %arg2[%add3A, %dma_wait3A] : memref<32x10000xi32, #tpu.memory_space<hbm>> -> memref<1x10000xi32, #tpu.memory_space<hbm>>
      %dma_wait3A_17 = tpu.memref_squeeze %dma_wait3A_16 : memref<1x10000xi32, #tpu.memory_space<hbm>> -> memref<10000xi32, #tpu.memory_space<hbm>>
      %dma_wait3A_18 = arith.constant 0 : i32
      %dma_wait3A_19 = tpu.memref_slice %arg2[%add3A, %dma_wait3A_18] : memref<32x10000xi32, #tpu.memory_space<hbm>> -> memref<1x10000xi32, #tpu.memory_space<hbm>>
      %dma_wait3A_20 = tpu.memref_squeeze %dma_wait3A_19 : memref<1x10000xi32, #tpu.memory_space<hbm>> -> memref<10000xi32, #tpu.memory_space<hbm>>
      tpu.wait_dma2 semaphore(%run_scoped3A : memref<!tpu.dma_semaphore, #tpu.memory_space<semaphore_mem>>) src(%dma_wait3A_20 : memref<10000xi32, #tpu.memory_space<hbm>>) dst(%arg4 : memref<10000xi32, #tpu.memory_space<vmem>>)
      tpu.yield
    }) : () -> ()
    %scan3A = arith.constant 0 : i32
    %scan3A_1 = arith.constant 625 : i32
    %scan3A_2 = arith.addi %scan3A, %scan3A_1 : i32
    %scan3A_3 = arith.constant 1 : i32
    scf.for %scan3A_11 = %scan3A to %scan3A_2 step %scan3A_3  : i32 {
      %mul3A_12 = arith.constant 16 : i32
      %mul3A_13 = arith.muli %scan3A_11, %mul3A_12 : i32
      %add3A_14 = arith.constant 0 : i32
      %add3A_15 = arith.addi %add3A_14, %mul3A_13 : i32
      %broadcast_in_dim3A_16 = arith.constant 0.000000e+00 : f32
      %broadcast_in_dim3A_17 = vector.broadcast %broadcast_in_dim3A_16 : f32 to vector<16xf32>
      %swap3A = arith.index_cast %add3A_15 : i32 to index
      %swap3A_18 = tpu.vector_load %arg5[%swap3A] {strides = array<i32>} : memref<10000xf32, #tpu.memory_space<vmem>>, vector<16xf32>,
      tpu.vector_store %arg5[%swap3A], %broadcast_in_dim3A_17 {strides = array<i32>} : memref<10000xf32, #tpu.memory_space<vmem>>, vector<16xf32>,
    }
    %scan3A_4 = arith.constant 625 : i32
    %broadcast_in_dim3A = arith.constant 1.000000e+00 : f32
    %broadcast_in_dim3A_5 = vector.broadcast %broadcast_in_dim3A : f32 to vector<16xf32>
    %scan3A_6 = arith.constant 0 : i32
    %scan3A_7 = arith.constant 625 : i32
    %scan3A_8 = arith.addi %scan3A_6, %scan3A_7 : i32
    %scan3A_9 = arith.constant 1 : i32
    scf.for %scan3A_11 = %scan3A_6 to %scan3A_8 step %scan3A_9  : i32 {
      %mul3A_12 = arith.constant 16 : i32
      %mul3A_13 = arith.muli %scan3A_11, %mul3A_12 : i32
      %add3A_14 = arith.constant 0 : i32
      %add3A_15 = arith.addi %add3A_14, %mul3A_13 : i32
      %get3A = arith.index_cast %add3A_15 : i32 to index
      %get3A_16 = tpu.vector_load %arg4[%get3A] {strides = array<i32>} : memref<10000xi32, #tpu.memory_space<vmem>>, vector<16xi32>,
      tpu.vector_store_idx %arg5[%get3A_16], %broadcast_in_dim3A_5 {add = true} : memref<10000xf32, #tpu.memory_space<vmem>>[vector<16xi32>], vector<16xf32>,
    }
    %scan3A_10 = arith.constant 625 : i32
    "tpu.region"() ({
      %run_scoped3A = tpu.sem_alloc : memref<!tpu.dma_semaphore, #tpu.memory_space<semaphore_mem>>
      %dma_start3A = arith.constant 0 : i32
      %dma_start3A_11 = tpu.memref_slice %arg3[%add3A, %dma_start3A] : memref<32x10000xf32, #tpu.memory_space<hbm>> -> memref<1x10000xf32, #tpu.memory_space<hbm>>
      %dma_start3A_12 = tpu.memref_squeeze %dma_start3A_11 : memref<1x10000xf32, #tpu.memory_space<hbm>> -> memref<10000xf32, #tpu.memory_space<hbm>>
      %dma_start3A_13 = arith.constant 0 : i32
      %dma_start3A_14 = tpu.memref_slice %arg3[%add3A, %dma_start3A_13] : memref<32x10000xf32, #tpu.memory_space<hbm>> -> memref<1x10000xf32, #tpu.memory_space<hbm>>
      %dma_start3A_15 = tpu.memref_squeeze %dma_start3A_14 : memref<1x10000xf32, #tpu.memory_space<hbm>> -> memref<10000xf32, #tpu.memory_space<hbm>>
      tpu.enqueue_dma source(%arg5 : memref<10000xf32, #tpu.memory_space<vmem>>) target(%dma_start3A_15 : memref<10000xf32, #tpu.memory_space<hbm>>) target_semaphore(%run_scoped3A : memref<!tpu.dma_semaphore, #tpu.memory_space<semaphore_mem>>)
      %dma_wait3A = arith.constant 0 : i32
      %dma_wait3A_16 = tpu.memref_slice %arg3[%add3A, %dma_wait3A] : memref<32x10000xf32, #tpu.memory_space<hbm>> -> memref<1x10000xf32, #tpu.memory_space<hbm>>
      %dma_wait3A_17 = tpu.memref_squeeze %dma_wait3A_16 : memref<1x10000xf32, #tpu.memory_space<hbm>> -> memref<10000xf32, #tpu.memory_space<hbm>>
      %dma_wait3A_18 = arith.constant 0 : i32
      %dma_wait3A_19 = tpu.memref_slice %arg3[%add3A, %dma_wait3A_18] : memref<32x10000xf32, #tpu.memory_space<hbm>> -> memref<1x10000xf32, #tpu.memory_space<hbm>>
      %dma_wait3A_20 = tpu.memref_squeeze %dma_wait3A_19 : memref<1x10000xf32, #tpu.memory_space<hbm>> -> memref<10000xf32, #tpu.memory_space<hbm>>
      tpu.wait_dma2 semaphore(%run_scoped3A : memref<!tpu.dma_semaphore, #tpu.memory_space<semaphore_mem>>) src(%arg5 : memref<10000xf32, #tpu.memory_space<vmem>>) dst(%dma_wait3A_20 : memref<10000xf32, #tpu.memory_space<hbm>>)
      tpu.yield
    }) : () -> ()
    return
  }
}

#map = affine_map<(d0, d1) -> (0, 0)>
#map1 = affine_map<(d0, d1) -> (0, 0, 0)>
module attributes {stable_mosaic.version = 14 : i64} {
  func.func @_sc_scatter_accum(%arg0: i32, %arg1: i32, %arg2: memref<32x10000xi32, #tpu.memory_space<hbm>>, %arg3: memref<32x10000xi32, #tpu.memory_space<hbm>>, %arg4: memref<10000x128xf32, #tpu.memory_space<hbm>>, %arg5: memref<632x128xf32, #tpu.memory_space<hbm>>, %arg6: memref<2x10112x128xf32, #tpu.memory_space<hbm>>, %arg7: memref<10000xi32, #tpu.memory_space<vmem>>, %arg8: memref<10000xi32, #tpu.memory_space<vmem>>, %arg9: memref<96x128xf32, #tpu.memory_space<vmem>>, %arg10: memref<96x128xf32, #tpu.memory_space<vmem>>, %arg11: memref<16x128xf32, #tpu.memory_space<vmem>>, %arg12: memref<10112x128xf32, #tpu.memory_space<vmem_shared>>, %arg13: memref<!tpu.dma_semaphore, #tpu.memory_space<semaphore_mem>>, %arg14: memref<!tpu.dma_semaphore, #tpu.memory_space<semaphore_mem>>) attributes {dimension_semantics = [#tpu.dimension_semantics<core_parallel>, #tpu.dimension_semantics<subcore_parallel>], iteration_bounds = array<i64: 2, 16>, scalar_prefetch = 0 : i64, scratch_operands = 8 : i64, tpu.core_type = #tpu.core_type<sc_vector_subcore>, window_params = [{transform_indices = #map}, {transform_indices = #map}, {transform_indices = #map}, {transform_indices = #map}, {transform_indices = #map1}]} {
    %mul3A = arith.constant 2 : i32
    %mul3A_0 = arith.muli %arg1, %mul3A : i32
    %add3A = arith.addi %mul3A_0, %arg0 : i32
    "tpu.region"() ({
      %run_scoped3A = tpu.sem_alloc : memref<!tpu.dma_semaphore, #tpu.memory_space<semaphore_mem>>
      %dma_start3A_25 = arith.constant 0 : i32
      %dma_start3A_26 = tpu.memref_slice %arg2[%add3A, %dma_start3A_25] : memref<32x10000xi32, #tpu.memory_space<hbm>> -> memref<1x10000xi32, #tpu.memory_space<hbm>>
      %dma_start3A_27 = tpu.memref_squeeze %dma_start3A_26 : memref<1x10000xi32, #tpu.memory_space<hbm>> -> memref<10000xi32, #tpu.memory_space<hbm>>
      %dma_start3A_28 = arith.constant 0 : i32
      %dma_start3A_29 = tpu.memref_slice %arg2[%add3A, %dma_start3A_28] : memref<32x10000xi32, #tpu.memory_space<hbm>> -> memref<1x10000xi32, #tpu.memory_space<hbm>>
      %dma_start3A_30 = tpu.memref_squeeze %dma_start3A_29 : memref<1x10000xi32, #tpu.memory_space<hbm>> -> memref<10000xi32, #tpu.memory_space<hbm>>
      tpu.enqueue_dma source(%dma_start3A_30 : memref<10000xi32, #tpu.memory_space<hbm>>) target(%arg7 : memref<10000xi32, #tpu.memory_space<vmem>>) target_semaphore(%run_scoped3A : memref<!tpu.dma_semaphore, #tpu.memory_space<semaphore_mem>>)
      %dma_wait3A_31 = arith.constant 0 : i32
      %dma_wait3A_32 = tpu.memref_slice %arg2[%add3A, %dma_wait3A_31] : memref<32x10000xi32, #tpu.memory_space<hbm>> -> memref<1x10000xi32, #tpu.memory_space<hbm>>
      %dma_wait3A_33 = tpu.memref_squeeze %dma_wait3A_32 : memref<1x10000xi32, #tpu.memory_space<hbm>> -> memref<10000xi32, #tpu.memory_space<hbm>>
      %dma_wait3A_34 = arith.constant 0 : i32
      %dma_wait3A_35 = tpu.memref_slice %arg2[%add3A, %dma_wait3A_34] : memref<32x10000xi32, #tpu.memory_space<hbm>> -> memref<1x10000xi32, #tpu.memory_space<hbm>>
      %dma_wait3A_36 = tpu.memref_squeeze %dma_wait3A_35 : memref<1x10000xi32, #tpu.memory_space<hbm>> -> memref<10000xi32, #tpu.memory_space<hbm>>
      tpu.wait_dma2 semaphore(%run_scoped3A : memref<!tpu.dma_semaphore, #tpu.memory_space<semaphore_mem>>) src(%dma_wait3A_36 : memref<10000xi32, #tpu.memory_space<hbm>>) dst(%arg7 : memref<10000xi32, #tpu.memory_space<vmem>>)
      tpu.yield
    }) : () -> ()
    "tpu.region"() ({
      %run_scoped3A = tpu.sem_alloc : memref<!tpu.dma_semaphore, #tpu.memory_space<semaphore_mem>>
      %dma_start3A_25 = arith.constant 0 : i32
      %dma_start3A_26 = tpu.memref_slice %arg3[%add3A, %dma_start3A_25] : memref<32x10000xi32, #tpu.memory_space<hbm>> -> memref<1x10000xi32, #tpu.memory_space<hbm>>
      %dma_start3A_27 = tpu.memref_squeeze %dma_start3A_26 : memref<1x10000xi32, #tpu.memory_space<hbm>> -> memref<10000xi32, #tpu.memory_space<hbm>>
      %dma_start3A_28 = arith.constant 0 : i32
      %dma_start3A_29 = tpu.memref_slice %arg3[%add3A, %dma_start3A_28] : memref<32x10000xi32, #tpu.memory_space<hbm>> -> memref<1x10000xi32, #tpu.memory_space<hbm>>
      %dma_start3A_30 = tpu.memref_squeeze %dma_start3A_29 : memref<1x10000xi32, #tpu.memory_space<hbm>> -> memref<10000xi32, #tpu.memory_space<hbm>>
      tpu.enqueue_dma source(%dma_start3A_30 : memref<10000xi32, #tpu.memory_space<hbm>>) target(%arg8 : memref<10000xi32, #tpu.memory_space<vmem>>) target_semaphore(%run_scoped3A : memref<!tpu.dma_semaphore, #tpu.memory_space<semaphore_mem>>)
      %dma_wait3A_31 = arith.constant 0 : i32
      %dma_wait3A_32 = tpu.memref_slice %arg3[%add3A, %dma_wait3A_31] : memref<32x10000xi32, #tpu.memory_space<hbm>> -> memref<1x10000xi32, #tpu.memory_space<hbm>>
      %dma_wait3A_33 = tpu.memref_squeeze %dma_wait3A_32 : memref<1x10000xi32, #tpu.memory_space<hbm>> -> memref<10000xi32, #tpu.memory_space<hbm>>
      %dma_wait3A_34 = arith.constant 0 : i32
      %dma_wait3A_35 = tpu.memref_slice %arg3[%add3A, %dma_wait3A_34] : memref<32x10000xi32, #tpu.memory_space<hbm>> -> memref<1x10000xi32, #tpu.memory_space<hbm>>
      %dma_wait3A_36 = tpu.memref_squeeze %dma_wait3A_35 : memref<1x10000xi32, #tpu.memory_space<hbm>> -> memref<10000xi32, #tpu.memory_space<hbm>>
      tpu.wait_dma2 semaphore(%run_scoped3A : memref<!tpu.dma_semaphore, #tpu.memory_space<semaphore_mem>>) src(%dma_wait3A_36 : memref<10000xi32, #tpu.memory_space<hbm>>) dst(%arg8 : memref<10000xi32, #tpu.memory_space<vmem>>)
      tpu.yield
    }) : () -> ()
    %mul3A_1 = arith.constant 632 : i32
    %mul3A_2 = arith.muli %arg1, %mul3A_1 : i32
    "tpu.region"() ({
      %run_scoped3A = tpu.sem_alloc : memref<!tpu.dma_semaphore, #tpu.memory_space<semaphore_mem>>
      %dma_start3A_25 = arith.constant 0 : i32
      %dma_start3A_26 = tpu.memref_slice %arg12[%mul3A_2, %dma_start3A_25] : memref<10112x128xf32, #tpu.memory_space<vmem_shared>> -> memref<632x128xf32, #tpu.memory_space<vmem_shared>>
      tpu.enqueue_dma source(%arg5 : memref<632x128xf32, #tpu.memory_space<hbm>>) target(%dma_start3A_26 : memref<632x128xf32, #tpu.memory_space<vmem_shared>>) target_semaphore(%run_scoped3A : memref<!tpu.dma_semaphore, #tpu.memory_space<semaphore_mem>>)
      %dma_wait3A_27 = arith.constant 0 : i32
      %dma_wait3A_28 = tpu.memref_slice %arg12[%mul3A_2, %dma_wait3A_27] : memref<10112x128xf32, #tpu.memory_space<vmem_shared>> -> memref<632x128xf32, #tpu.memory_space<vmem_shared>>
      tpu.wait_dma2 semaphore(%run_scoped3A : memref<!tpu.dma_semaphore, #tpu.memory_space<semaphore_mem>>) src(%arg5 : memref<632x128xf32, #tpu.memory_space<hbm>>) dst(%dma_wait3A_28 : memref<632x128xf32, #tpu.memory_space<vmem_shared>>)
      tpu.yield
    }) : () -> ()
    %barrier3A = arith.constant 0 : index
    tpu.barrier barrier_id(%barrier3A)
    %dma_start3A = arith.constant 0 : i32
    %dma_start3A_3 = tpu.memref_slice %arg7[%dma_start3A] : memref<10000xi32, #tpu.memory_space<vmem>> -> memref<96xi32, #tpu.memory_space<vmem>>
    %dma_start3A_4 = arith.constant 0 : i32
    %dma_start3A_5 = arith.constant 0 : i32
    %dma_start3A_6 = tpu.memref_slice %arg4[%dma_start3A_4, %dma_start3A_5] : memref<10000x128xf32, #tpu.memory_space<hbm>> -> memref<10000x128xf32, #tpu.memory_space<hbm>>
    tpu.enqueue_indirect_dma source(%dma_start3A_6 : memref<10000x128xf32, #tpu.memory_space<hbm>>) target(%arg9 : memref<96x128xf32, #tpu.memory_space<vmem>>) offsets(%dma_start3A_3 : memref<96xi32, #tpu.memory_space<vmem>>) semaphore(%arg13 : memref<!tpu.dma_semaphore, #tpu.memory_space<semaphore_mem>>)
    %scan3A = arith.constant 0 : i32
    %scan3A_7 = arith.constant 52 : i32
    %scan3A_8 = arith.addi %scan3A, %scan3A_7 : i32
    %scan3A_9 = arith.constant 1 : i32
    scf.for %scan3A_25 = %scan3A to %scan3A_8 step %scan3A_9  : i32 {
      %mul3A_26 = arith.constant 2 : i32
      %mul3A_27 = arith.muli %scan3A_25, %mul3A_26 : i32
      %add3A_28 = arith.constant 0 : i32
      %add3A_29 = arith.addi %add3A_28, %mul3A_27 : i32
      %mul3A_30 = arith.constant 96 : i32
      %mul3A_31 = arith.muli %add3A_29, %mul3A_30 : i32
      %dma_wait3A_32 = tpu.memref_slice %arg7[%mul3A_31] : memref<10000xi32, #tpu.memory_space<vmem>> -> memref<96xi32, #tpu.memory_space<vmem>>
      %dma_wait3A_33 = arith.constant 0 : i32
      %dma_wait3A_34 = arith.constant 0 : i32
      %dma_wait3A_35 = tpu.memref_slice %arg4[%dma_wait3A_33, %dma_wait3A_34] : memref<10000x128xf32, #tpu.memory_space<hbm>> -> memref<10000x128xf32, #tpu.memory_space<hbm>>
      tpu.wait_indirect_dma semaphore(%arg13 : memref<!tpu.dma_semaphore, #tpu.memory_space<semaphore_mem>>) src(%dma_wait3A_35 : memref<10000x128xf32, #tpu.memory_space<hbm>>) dst(%arg9 : memref<96x128xf32, #tpu.memory_space<vmem>>)
      %add3A_36 = arith.constant 1 : i32
      %add3A_37 = arith.addi %add3A_29, %add3A_36 : i32
      %mul3A_38 = arith.constant 96 : i32
      %mul3A_39 = arith.muli %add3A_37, %mul3A_38 : i32
      %dma_start3A_40 = tpu.memref_slice %arg7[%mul3A_39] : memref<10000xi32, #tpu.memory_space<vmem>> -> memref<96xi32, #tpu.memory_space<vmem>>
      %dma_start3A_41 = arith.constant 0 : i32
      %dma_start3A_42 = arith.constant 0 : i32
      %dma_start3A_43 = tpu.memref_slice %arg4[%dma_start3A_41, %dma_start3A_42] : memref<10000x128xf32, #tpu.memory_space<hbm>> -> memref<10000x128xf32, #tpu.memory_space<hbm>>
      tpu.enqueue_indirect_dma source(%dma_start3A_43 : memref<10000x128xf32, #tpu.memory_space<hbm>>) target(%arg10 : memref<96x128xf32, #tpu.memory_space<vmem>>) offsets(%dma_start3A_40 : memref<96xi32, #tpu.memory_space<vmem>>) semaphore(%arg14 : memref<!tpu.dma_semaphore, #tpu.memory_space<semaphore_mem>>)
      %mul3A_44 = arith.constant 96 : i32
      %mul3A_45 = arith.muli %add3A_29, %mul3A_44 : i32
      "tpu.region"() ({
        %run_scoped3A = tpu.sem_alloc : memref<!tpu.dma_semaphore, #tpu.memory_space<semaphore_mem>>
        %dma_start3A_62 = tpu.memref_slice %arg8[%mul3A_45] : memref<10000xi32, #tpu.memory_space<vmem>> -> memref<96xi32, #tpu.memory_space<vmem>>
        %dma_start3A_63 = arith.constant 0 : i32
        %dma_start3A_64 = arith.constant 0 : i32
        %dma_start3A_65 = tpu.memref_slice %arg12[%dma_start3A_63, %dma_start3A_64] : memref<10112x128xf32, #tpu.memory_space<vmem_shared>> -> memref<10112x128xf32, #tpu.memory_space<vmem_shared>>
        tpu.enqueue_indirect_dma source(%arg9 : memref<96x128xf32, #tpu.memory_space<vmem>>) target(%dma_start3A_65 : memref<10112x128xf32, #tpu.memory_space<vmem_shared>>) offsets(%dma_start3A_62 : memref<96xi32, #tpu.memory_space<vmem>>) semaphore(%run_scoped3A : memref<!tpu.dma_semaphore, #tpu.memory_space<semaphore_mem>>) {add = true}
        %dma_wait3A_66 = tpu.memref_slice %arg8[%mul3A_45] : memref<10000xi32, #tpu.memory_space<vmem>> -> memref<96xi32, #tpu.memory_space<vmem>>
        %dma_wait3A_67 = arith.constant 0 : i32
        %dma_wait3A_68 = arith.constant 0 : i32
        %dma_wait3A_69 = tpu.memref_slice %arg12[%dma_wait3A_67, %dma_wait3A_68] : memref<10112x128xf32, #tpu.memory_space<vmem_shared>> -> memref<10112x128xf32, #tpu.memory_space<vmem_shared>>
        tpu.wait_indirect_dma semaphore(%run_scoped3A : memref<!tpu.dma_semaphore, #tpu.memory_space<semaphore_mem>>) src(%arg9 : memref<96x128xf32, #tpu.memory_space<vmem>>) dst(%dma_wait3A_69 : memref<10112x128xf32, #tpu.memory_space<vmem_shared>>)
        tpu.yield
      }) : () -> ()
      %add3A_46 = arith.constant 1 : i32
      %add3A_47 = arith.addi %add3A_29, %add3A_46 : i32
      %mul3A_48 = arith.constant 96 : i32
      %mul3A_49 = arith.muli %add3A_47, %mul3A_48 : i32
      %dma_wait3A_50 = tpu.memref_slice %arg7[%mul3A_49] : memref<10000xi32, #tpu.memory_space<vmem>> -> memref<96xi32, #tpu.memory_space<vmem>>
      %dma_wait3A_51 = arith.constant 0 : i32
      %dma_wait3A_52 = arith.constant 0 : i32
      %dma_wait3A_53 = tpu.memref_slice %arg4[%dma_wait3A_51, %dma_wait3A_52] : memref<10000x128xf32, #tpu.memory_space<hbm>> -> memref<10000x128xf32, #tpu.memory_space<hbm>>
      tpu.wait_indirect_dma semaphore(%arg14 : memref<!tpu.dma_semaphore, #tpu.memory_space<semaphore_mem>>) src(%dma_wait3A_53 : memref<10000x128xf32, #tpu.memory_space<hbm>>) dst(%arg10 : memref<96x128xf32, #tpu.memory_space<vmem>>)
      %add3A_54 = arith.constant 2 : i32
      %add3A_55 = arith.addi %add3A_29, %add3A_54 : i32
      %lt3A = arith.constant 104 : i32
      %lt3A_56 = arith.cmpi slt, %add3A_55, %lt3A : i32
      %convert_element_type3A = arith.extui %lt3A_56 : i1 to i32
      %cond3A = arith.constant 0 : i32
      %cond3A_57 = arith.cmpi ne, %convert_element_type3A, %cond3A : i32
      scf.if %cond3A_57 {
        %add3A_62 = arith.constant 2 : i32
        %add3A_63 = arith.addi %add3A_29, %add3A_62 : i32
        %mul3A_64 = arith.constant 96 : i32
        %mul3A_65 = arith.muli %add3A_63, %mul3A_64 : i32
        %dma_start3A_66 = tpu.memref_slice %arg7[%mul3A_65] : memref<10000xi32, #tpu.memory_space<vmem>> -> memref<96xi32, #tpu.memory_space<vmem>>
        %dma_start3A_67 = arith.constant 0 : i32
        %dma_start3A_68 = arith.constant 0 : i32
        %dma_start3A_69 = tpu.memref_slice %arg4[%dma_start3A_67, %dma_start3A_68] : memref<10000x128xf32, #tpu.memory_space<hbm>> -> memref<10000x128xf32, #tpu.memory_space<hbm>>
        tpu.enqueue_indirect_dma source(%dma_start3A_69 : memref<10000x128xf32, #tpu.memory_space<hbm>>) target(%arg9 : memref<96x128xf32, #tpu.memory_space<vmem>>) offsets(%dma_start3A_66 : memref<96xi32, #tpu.memory_space<vmem>>) semaphore(%arg13 : memref<!tpu.dma_semaphore, #tpu.memory_space<semaphore_mem>>)
      } else {
      }
      %add3A_58 = arith.constant 1 : i32
      %add3A_59 = arith.addi %add3A_29, %add3A_58 : i32
      %mul3A_60 = arith.constant 96 : i32
      %mul3A_61 = arith.muli %add3A_59, %mul3A_60 : i32
      "tpu.region"() ({
        %run_scoped3A = tpu.sem_alloc : memref<!tpu.dma_semaphore, #tpu.memory_space<semaphore_mem>>
        %dma_start3A_62 = tpu.memref_slice %arg8[%mul3A_61] : memref<10000xi32, #tpu.memory_space<vmem>> -> memref<96xi32, #tpu.memory_space<vmem>>
        %dma_start3A_63 = arith.constant 0 : i32
        %dma_start3A_64 = arith.constant 0 : i32
        %dma_start3A_65 = tpu.memref_slice %arg12[%dma_start3A_63, %dma_start3A_64] : memref<10112x128xf32, #tpu.memory_space<vmem_shared>> -> memref<10112x128xf32, #tpu.memory_space<vmem_shared>>
        tpu.enqueue_indirect_dma source(%arg10 : memref<96x128xf32, #tpu.memory_space<vmem>>) target(%dma_start3A_65 : memref<10112x128xf32, #tpu.memory_space<vmem_shared>>) offsets(%dma_start3A_62 : memref<96xi32, #tpu.memory_space<vmem>>) semaphore(%run_scoped3A : memref<!tpu.dma_semaphore, #tpu.memory_space<semaphore_mem>>) {add = true}
        %dma_wait3A_66 = tpu.memref_slice %arg8[%mul3A_61] : memref<10000xi32, #tpu.memory_space<vmem>> -> memref<96xi32, #tpu.memory_space<vmem>>
        %dma_wait3A_67 = arith.constant 0 : i32
        %dma_wait3A_68 = arith.constant 0 : i32
        %dma_wait3A_69 = tpu.memref_slice %arg12[%dma_wait3A_67, %dma_wait3A_68] : memref<10112x128xf32, #tpu.memory_space<vmem_shared>> -> memref<10112x128xf32, #tpu.memory_space<vmem_shared>>
        tpu.wait_indirect_dma semaphore(%run_scoped3A : memref<!tpu.dma_semaphore, #tpu.memory_space<semaphore_mem>>) src(%arg10 : memref<96x128xf32, #tpu.memory_space<vmem>>) dst(%dma_wait3A_69 : memref<10112x128xf32, #tpu.memory_space<vmem_shared>>)
        tpu.yield
      }) : () -> ()
    }
    %scan3A_10 = arith.constant 52 : i32
    %dma_start3A_11 = arith.constant 9984 : i32
    %dma_start3A_12 = tpu.memref_slice %arg7[%dma_start3A_11] : memref<10000xi32, #tpu.memory_space<vmem>> -> memref<16xi32, #tpu.memory_space<vmem>>
    %dma_start3A_13 = arith.constant 0 : i32
    %dma_start3A_14 = arith.constant 0 : i32
    %dma_start3A_15 = tpu.memref_slice %arg4[%dma_start3A_13, %dma_start3A_14] : memref<10000x128xf32, #tpu.memory_space<hbm>> -> memref<10000x128xf32, #tpu.memory_space<hbm>>
    tpu.enqueue_indirect_dma source(%dma_start3A_15 : memref<10000x128xf32, #tpu.memory_space<hbm>>) target(%arg11 : memref<16x128xf32, #tpu.memory_space<vmem>>) offsets(%dma_start3A_12 : memref<16xi32, #tpu.memory_space<vmem>>) semaphore(%arg13 : memref<!tpu.dma_semaphore, #tpu.memory_space<semaphore_mem>>)
    %dma_wait3A = arith.constant 9984 : i32
    %dma_wait3A_16 = tpu.memref_slice %arg7[%dma_wait3A] : memref<10000xi32, #tpu.memory_space<vmem>> -> memref<16xi32, #tpu.memory_space<vmem>>
    %dma_wait3A_17 = arith.constant 0 : i32
    %dma_wait3A_18 = arith.constant 0 : i32
    %dma_wait3A_19 = tpu.memref_slice %arg4[%dma_wait3A_17, %dma_wait3A_18] : memref<10000x128xf32, #tpu.memory_space<hbm>> -> memref<10000x128xf32, #tpu.memory_space<hbm>>
    tpu.wait_indirect_dma semaphore(%arg13 : memref<!tpu.dma_semaphore, #tpu.memory_space<semaphore_mem>>) src(%dma_wait3A_19 : memref<10000x128xf32, #tpu.memory_space<hbm>>) dst(%arg11 : memref<16x128xf32, #tpu.memory_space<vmem>>)
    "tpu.region"() ({
      %run_scoped3A = tpu.sem_alloc : memref<!tpu.dma_semaphore, #tpu.memory_space<semaphore_mem>>
      %dma_start3A_25 = arith.constant 9984 : i32
      %dma_start3A_26 = tpu.memref_slice %arg8[%dma_start3A_25] : memref<10000xi32, #tpu.memory_space<vmem>> -> memref<16xi32, #tpu.memory_space<vmem>>
      %dma_start3A_27 = arith.constant 0 : i32
      %dma_start3A_28 = arith.constant 0 : i32
      %dma_start3A_29 = tpu.memref_slice %arg12[%dma_start3A_27, %dma_start3A_28] : memref<10112x128xf32, #tpu.memory_space<vmem_shared>> -> memref<10112x128xf32, #tpu.memory_space<vmem_shared>>
      tpu.enqueue_indirect_dma source(%arg11 : memref<16x128xf32, #tpu.memory_space<vmem>>) target(%dma_start3A_29 : memref<10112x128xf32, #tpu.memory_space<vmem_shared>>) offsets(%dma_start3A_26 : memref<16xi32, #tpu.memory_space<vmem>>) semaphore(%run_scoped3A : memref<!tpu.dma_semaphore, #tpu.memory_space<semaphore_mem>>) {add = true}
      %dma_wait3A_30 = arith.constant 9984 : i32
      %dma_wait3A_31 = tpu.memref_slice %arg8[%dma_wait3A_30] : memref<10000xi32, #tpu.memory_space<vmem>> -> memref<16xi32, #tpu.memory_space<vmem>>
      %dma_wait3A_32 = arith.constant 0 : i32
      %dma_wait3A_33 = arith.constant 0 : i32
      %dma_wait3A_34 = tpu.memref_slice %arg12[%dma_wait3A_32, %dma_wait3A_33] : memref<10112x128xf32, #tpu.memory_space<vmem_shared>> -> memref<10112x128xf32, #tpu.memory_space<vmem_shared>>
      tpu.wait_indirect_dma semaphore(%run_scoped3A : memref<!tpu.dma_semaphore, #tpu.memory_space<semaphore_mem>>) src(%arg11 : memref<16x128xf32, #tpu.memory_space<vmem>>) dst(%dma_wait3A_34 : memref<10112x128xf32, #tpu.memory_space<vmem_shared>>)
      tpu.yield
    }) : () -> ()
    %barrier3A_20 = arith.constant 0 : index
    tpu.barrier barrier_id(%barrier3A_20)
    %mul3A_21 = arith.constant 632 : i32
    %mul3A_22 = arith.muli %arg1, %mul3A_21 : i32
    %mul3A_23 = arith.constant 632 : i32
    %mul3A_24 = arith.muli %arg1, %mul3A_23 : i32
    "tpu.region"() ({
      %run_scoped3A = tpu.sem_alloc : memref<!tpu.dma_semaphore, #tpu.memory_space<semaphore_mem>>
      %dma_start3A_25 = arith.constant 0 : i32
      %dma_start3A_26 = tpu.memref_slice %arg6[%arg0, %mul3A_24, %dma_start3A_25] : memref<2x10112x128xf32, #tpu.memory_space<hbm>> -> memref<1x632x128xf32, #tpu.memory_space<hbm>>
      %dma_start3A_27 = tpu.memref_squeeze %dma_start3A_26 : memref<1x632x128xf32, #tpu.memory_space<hbm>> -> memref<632x128xf32, #tpu.memory_space<hbm>>
      %dma_start3A_28 = arith.constant 0 : i32
      %dma_start3A_29 = tpu.memref_slice %arg12[%mul3A_22, %dma_start3A_28] : memref<10112x128xf32, #tpu.memory_space<vmem_shared>> -> memref<632x128xf32, #tpu.memory_space<vmem_shared>>
      tpu.enqueue_dma source(%dma_start3A_29 : memref<632x128xf32, #tpu.memory_space<vmem_shared>>) target(%dma_start3A_27 : memref<632x128xf32, #tpu.memory_space<hbm>>) target_semaphore(%run_scoped3A : memref<!tpu.dma_semaphore, #tpu.memory_space<semaphore_mem>>)
      %dma_wait3A_30 = arith.constant 0 : i32
      %dma_wait3A_31 = tpu.memref_slice %arg6[%arg0, %mul3A_24, %dma_wait3A_30] : memref<2x10112x128xf32, #tpu.memory_space<hbm>> -> memref<1x632x128xf32, #tpu.memory_space<hbm>>
      %dma_wait3A_32 = tpu.memref_squeeze %dma_wait3A_31 : memref<1x632x128xf32, #tpu.memory_space<hbm>> -> memref<632x128xf32, #tpu.memory_space<hbm>>
      %dma_wait3A_33 = arith.constant 0 : i32
      %dma_wait3A_34 = tpu.memref_slice %arg12[%mul3A_22, %dma_wait3A_33] : memref<10112x128xf32, #tpu.memory_space<vmem_shared>> -> memref<632x128xf32, #tpu.memory_space<vmem_shared>>
      tpu.wait_dma2 semaphore(%run_scoped3A : memref<!tpu.dma_semaphore, #tpu.memory_space<semaphore_mem>>) src(%dma_wait3A_34 : memref<632x128xf32, #tpu.memory_space<vmem_shared>>) dst(%dma_wait3A_32 : memref<632x128xf32, #tpu.memory_space<hbm>>)
      tpu.yield
    }) : () -> ()
    return
  }
}

module attributes {stable_mosaic.version = 14 : i64} {
  func.func @_tc_scale_body(%arg0: memref<32x10000xf32, #tpu.memory_space<vmem>>, %arg1: memref<10000x128xf32, #tpu.memory_space<vmem>>, %arg2: memref<10000x128xf32, #tpu.memory_space<vmem>>, %arg3: memref<10000x1xf32, #tpu.memory_space<vmem>>) attributes {dimension_semantics = [], scalar_prefetch = 0 : i64, scratch_operands = 0 : i64, tpu.core_type = #tpu.core_type<tc>} {
    %get3A = arith.constant 0 : index
    %get3A_0 = arith.constant 0 : index
    %get3A_1 = vector.load %arg0[%get3A, %get3A_0] : memref<32x10000xf32, #tpu.memory_space<vmem>>, vector<32x10000xf32>
    %reduce_sum3A = arith.constant dense<0.000000e+00> : vector<10000xf32>
    %reduce_sum3A_2 = vector.multi_reduction <add>, %get3A_1, %reduce_sum3A [0] : vector<32x10000xf32> to vector<10000xf32>
    %add3A = arith.constant 1.000000e+00 : f32
    %add3A_3 = vector.broadcast %add3A : f32 to vector<10000xf32>
    %add3A_4 = arith.addf %reduce_sum3A_2, %add3A_3 : vector<10000xf32>
    %rsqrt3A = math.rsqrt %add3A_4 : vector<10000xf32>
    %broadcast_in_dim3A = vector.shape_cast %rsqrt3A : vector<10000xf32> to vector<10000x1xf32>
    %swap3A = arith.constant 0 : index
    %swap3A_5 = arith.constant 0 : index
    %swap3A_6 = vector.load %arg3[%swap3A, %swap3A_5] : memref<10000x1xf32, #tpu.memory_space<vmem>>, vector<10000x1xf32>
    tpu.vector_store %arg3[%swap3A, %swap3A_5], %broadcast_in_dim3A {strides = array<i32>} : memref<10000x1xf32, #tpu.memory_space<vmem>>, vector<10000x1xf32>,
    %get3A_7 = arith.constant 0 : index
    %get3A_8 = arith.constant 0 : index
    %get3A_9 = vector.load %arg1[%get3A_7, %get3A_8] : memref<10000x128xf32, #tpu.memory_space<vmem>>, vector<10000x128xf32>
    %mul3A = vector.broadcast %broadcast_in_dim3A : vector<10000x1xf32> to vector<10000x128xf32>
    %mul3A_10 = arith.mulf %get3A_9, %mul3A : vector<10000x128xf32>
    %swap3A_11 = arith.constant 0 : index
    %swap3A_12 = arith.constant 0 : index
    %swap3A_13 = vector.load %arg2[%swap3A_11, %swap3A_12] : memref<10000x128xf32, #tpu.memory_space<vmem>>, vector<10000x128xf32>
    tpu.vector_store %arg2[%swap3A_11, %swap3A_12], %mul3A_10 {strides = array<i32>} : memref<10000x128xf32, #tpu.memory_space<vmem>>, vector<10000x128xf32>,
    return
  }
}

module attributes {stable_mosaic.version = 14 : i64} {
  func.func @_tc_combine_body(%arg0: memref<2x10112x128xf32, #tpu.memory_space<vmem>>, %arg1: memref<10000x128xf32, #tpu.memory_space<vmem>>, %arg2: memref<10000x1xf32, #tpu.memory_space<vmem>>, %arg3: memref<128x128xf32, #tpu.memory_space<vmem>>, %arg4: memref<128xf32, #tpu.memory_space<vmem>>, %arg5: memref<10000x128xf32, #tpu.memory_space<vmem>>) attributes {dimension_semantics = [], scalar_prefetch = 0 : i64, scratch_operands = 0 : i64, tpu.core_type = #tpu.core_type<tc>} {
    %get3A = arith.constant 0 : index
    %get3A_0 = arith.constant 0 : index
    %get3A_1 = arith.constant 0 : index
    %get3A_2 = vector.load %arg0[%get3A, %get3A_0, %get3A_1] : memref<2x10112x128xf32, #tpu.memory_space<vmem>>, vector<1x10000x128xf32>
    %get3A_3 = vector.shape_cast %get3A_2 : vector<1x10000x128xf32> to vector<10000x128xf32>
    %get3A_4 = arith.constant 1 : index
    %get3A_5 = arith.constant 0 : index
    %get3A_6 = arith.constant 0 : index
    %get3A_7 = vector.load %arg0[%get3A_4, %get3A_5, %get3A_6] : memref<2x10112x128xf32, #tpu.memory_space<vmem>>, vector<1x10000x128xf32>
    %get3A_8 = vector.shape_cast %get3A_7 : vector<1x10000x128xf32> to vector<10000x128xf32>
    %add3A = arith.addf %get3A_3, %get3A_8 : vector<10000x128xf32>
    %get3A_9 = arith.constant 0 : index
    %get3A_10 = arith.constant 0 : index
    %get3A_11 = vector.load %arg1[%get3A_9, %get3A_10] : memref<10000x128xf32, #tpu.memory_space<vmem>>, vector<10000x128xf32>
    %add3A_12 = arith.addf %add3A, %get3A_11 : vector<10000x128xf32>
    %get3A_13 = arith.constant 0 : index
    %get3A_14 = arith.constant 0 : index
    %get3A_15 = vector.load %arg2[%get3A_13, %get3A_14] : memref<10000x1xf32, #tpu.memory_space<vmem>>, vector<10000x1xf32>
    %mul3A = vector.broadcast %get3A_15 : vector<10000x1xf32> to vector<10000x128xf32>
    %mul3A_16 = arith.mulf %add3A_12, %mul3A : vector<10000x128xf32>
    %get3A_17 = arith.constant 0 : index
    %get3A_18 = arith.constant 0 : index
    %get3A_19 = vector.load %arg3[%get3A_17, %get3A_18] : memref<128x128xf32, #tpu.memory_space<vmem>>, vector<128x128xf32>
    %dot_general3A = arith.constant dense<0.000000e+00> : vector<10000x128xf32>
    %dot_general3A_20 = tpu.matmul %mul3A_16, %get3A_19, %dot_general3A {dimension_numbers = #tpu.dot_dimension_numbers<[1], [1], [0], [0], [0, 0, 1, 0], [], []>, precision = #tpu.contract_precision<fp32>, transpose_lhs_hint = false} : vector<10000x128xf32>, vector<128x128xf32>, vector<10000x128xf32> -> vector<10000x128xf32>
    %get3A_21 = arith.constant 0 : index
    %get3A_22 = vector.load %arg4[%get3A_21] : memref<128xf32, #tpu.memory_space<vmem>>, vector<128xf32>
    %broadcast_in_dim3A = vector.shape_cast %get3A_22 : vector<128xf32> to vector<1x128xf32>
    %add3A_23 = vector.broadcast %broadcast_in_dim3A : vector<1x128xf32> to vector<10000x128xf32>
    %add3A_24 = arith.addf %dot_general3A_20, %add3A_23 : vector<10000x128xf32>
    %swap3A = arith.constant 0 : index
    %swap3A_25 = arith.constant 0 : index
    %swap3A_26 = vector.load %arg5[%swap3A, %swap3A_25] : memref<10000x128xf32, #tpu.memory_space<vmem>>, vector<10000x128xf32>
    tpu.vector_store %arg5[%swap3A, %swap3A_25], %add3A_24 {strides = array<i32>} : memref<10000x128xf32, #tpu.memory_space<vmem>>, vector<10000x128xf32>,
    return
  }
}

</mosaic_0001>

<sc_bundles>
// kernel: kernel.6.cloned.1.call-start
scs
__scs_entry_jumppad:
0x0: {  	(pc) =	sbr.rel $0x88, $3  }
0x1: {  	(tag) =	ssettag $0x0;
	lr =	simm.s32 $0x1  }
0x2: {  	[smem:$0x3F9D] =	sst lr;
	_ =	strace $0xD0000000  }
0x3: {  	_ = 	snop  }
0x4: {  	_ = 	snop  }
0x5: {  	_ = 	snop  }
0x6: {  	_ = 	snop  }
0x7: {  	_ = 	snop  }
__scs_overlays_trampoline_lowered:
0x8: {  	[smem:$0x3FAC] =	sst s0  }
0x9: {  	[smem:$0x3FAD] =	sst s1  }
0xa: {  	[smem:$0x3FAE] =	sst s2  }
0xb: {  	[smem:$0x3FAF] =	sst s3  }
0xc: {  	[smem:$0x3FB0] =	sst s4  }
0xd: {  	[smem:$0x3FB1] =	sst s5  }
0xe: {  	[smem:$0x3FB2] =	sst s6  }
0xf: {  	[smem:$0x3FB3] =	sst s7  }
0x10: {  	[smem:$0x3FB4] =	sst s8  }
0x11: {  	[smem:$0x3FB5] =	sst s9;
	s0 =	simm.s32 @!p0 $0x0  }
0x12: {  	s1 =	sld [smem:$0x3F9B];
	s0 =	simm.s32 @p0 $0x1  }
0x13: {  	[smem:$0x3FB6] =	sst s0;
	s0 =	simm.s32 @!p1 $0x0  }
0x14: {  	s2 =	sld [smem:$0x3F9A];
	s0 =	simm.s32 @p1 $0x1  }
0x15: {  	[smem:$0x3FB7] =	sst s0;
	s0 =	simm.s32 @!p2 $0x0  }
0x16: {  	s3 =	sld [smem:$0x3FDB];
	s0 =	simm.s32 @p2 $0x1  }
0x17: {  	s4 =	simm.s32 $0x1BF5;
	[smem:$0x3FB9] =	sst s0  }
0x18: {  	s0 =	sld [smem:$0x3F9C];
	_ =	swait.ge [sflag:s4], $0x0  }
0x19: {  	s7 =	sld [smem:$0x3F9D]  }
0x1a: {  	s8 =	sadd.s32 $0xFFFFE003, lr  }
0x1b: {  	s9 =	sadd.s32 $0xFFFFFEF7, lr;
	s5 =	simm.s32 $0xFFFFFFFF;
	p2 =	slt.u32 s8, $0xFFFFF086  }
0x1c: {  	p1 =	slt.u32 s9, $0xF7A;
	s5 =	simm.s32 @!p2 $0x0  }
0x1d: {  	s5 =	simm.s32 @p1 $0x1;
	p0 =	seq.s32 s7, s2  }
0x1e: {  	s7 =	smul.u32 @!p0 $0xF7A, s2;
	p2 =	seq.s32 @!p0 s5, $0x0  }
0x1f: {  	s9 =	smul.u32 $0xF7A, s1;
	s8 =	simm.s32 @!p0 $0x1BF5;
	p2 =	por !p2, p0  }
0x20: {  	[sflag:s8] =	ssyncset.s32 @!p0 $0xFFFFF086;
	s6 =	sadd.s32 @!p0 s3, s7;
	s7 =	simm.s32 @!p0 $0x108  }
0x21: {  	s3 =	sadd.s32 s3, s9;
	s6 =	sadd.s32 @!p0 $0x88, s6;
	s7 =	simm.s32 @p2 $0x1082  }
0x22: {  	[simem:s7], [sflag:s8] =	dma.local @!p0 [hbm:s6], $0xF7A  }
0x23: {  	s9 =	sor.u32 $0xD0000000, s2;
	s6 =	simm.s32 $0x108;
	_ =	swait.ge @!p0 [sflag:s8], $0x0  }
0x24: {  	s3 =	sadd.s32 $0x88, s3;
	s6 =	simm.s32 @!p1 $0x1082;
	[sflag:s4] =	ssyncset.s32 $0xFFFFF086  }
0x25: {  	[simem:s6], [sflag:s4] =	dma.local [hbm:s3], $0xF7A  }
0x26: {  	[smem:$0x3F9D] =	sst s1;
	(tag) =	ssettag s2;
	_ =	strace s9  }
0x27: {  	s1 =	sld [smem:$0x3FAD]  }
0x28: {  	s2 =	sld [smem:$0x3FAE]  }
0x29: {  	s4 =	sld [smem:$0x3FB0]  }
0x2a: {  	p0 =	seq.s32 s5, $0x0;
	s5 =	sld [smem:$0x3FB1]  }
0x2b: {  	s6 =	sld [smem:$0x3FB2]  }
0x2c: {  	s7 =	sld [smem:$0x3FB3]  }
0x2d: {  	s3 =	simm.s32 $0x108;
	s8 =	sld [smem:$0x3FB4]  }
0x2e: {  	s3 =	simm.s32 @!p0 $0x1082;
	s9 =	sld [smem:$0x3FB5]  }
0x2f: {  	lr =	sadd.s32 s0, s3;
	s0 =	sld [smem:$0x3FAC]  }
0x30: {  	s3 =	sld [smem:$0x3FAF]  }
0x31: {  	[smem:$0x3FB8] =	sst s10  }
0x32: {  	s10 =	sld [smem:$0x3FB6];
	_ =	sdelay $0x3  }
0x33: {  	p0 =	seq.s32 s10, $0x1;
	s10 =	sld [smem:$0x3FB8];
	_ =	sdelay $0x3  }
0x34: {  	[smem:$0x3FB8] =	sst s10  }
0x35: {  	s10 =	sld [smem:$0x3FB7];
	_ =	sdelay $0x3  }
0x36: {  	p1 =	seq.s32 s10, $0x1;
	s10 =	sld [smem:$0x3FB8];
	_ =	sdelay $0x3  }
0x37: {  	[smem:$0x3FB8] =	sst s10  }
0x38: {  	s10 =	sld [smem:$0x3FB9]  }
0x39: {  	_ = 	snop;
	(pc) =	sbr.ind lr, $3  }
0x3a: {  	_ = 	snop  }
0x3b: {  	_ = 	snop  }
0x3c: {  	p2 =	seq.s32 s10, $0x1;
	s10 =	sld [smem:$0x3FB8]  }
0x3d: {  	_ =	shalt  }
0x3e: {  	_ =	shalt  }
0x3f: {  	_ =	shalt  }
0x40: {  	_ =	shalt  }
0x41: {  	_ =	shalt  }
0x42: {  	_ =	shalt  }
0x43: {  	_ =	shalt  }
0x44: {  	_ =	shalt  }
0x45: {  	_ =	shalt  }
0x46: {  	_ =	shalt  }
0x47: {  	_ =	shalt  }
0x48: {  	_ =	shalt  }
0x49: {  	_ =	shalt  }
0x4a: {  	_ =	shalt  }
0x4b: {  	_ =	shalt  }
0x4c: {  	_ =	shalt  }
0x4d: {  	_ =	shalt  }
0x4e: {  	_ =	shalt  }
0x4f: {  	_ =	shalt  }
0x50: {  	_ =	shalt  }
0x51: {  	_ =	shalt  }
0x52: {  	_ =	shalt  }
0x53: {  	_ =	shalt  }
0x54: {  	_ =	shalt  }
0x55: {  	_ =	shalt  }
0x56: {  	_ =	shalt  }
0x57: {  	_ =	shalt  }
0x58: {  	_ =	shalt  }
0x59: {  	_ =	shalt  }
0x5a: {  	_ =	shalt  }
0x5b: {  	_ =	shalt  }
0x5c: {  	_ =	shalt  }
0x5d: {  	_ =	shalt  }
0x5e: {  	_ =	shalt  }
0x5f: {  	_ =	shalt  }
0x60: {  	_ =	shalt  }
0x61: {  	_ =	shalt  }
0x62: {  	_ =	shalt  }
0x63: {  	_ =	shalt  }
0x64: {  	_ =	shalt  }
0x65: {  	_ =	shalt  }
0x66: {  	_ =	shalt  }
0x67: {  	_ =	shalt  }
0x68: {  	_ =	shalt  }
0x69: {  	_ =	shalt  }
0x6a: {  	_ =	shalt  }
0x6b: {  	_ =	shalt  }
0x6c: {  	_ =	shalt  }
0x6d: {  	_ =	shalt  }
0x6e: {  	_ =	shalt  }
0x6f: {  	_ =	shalt  }
0x70: {  	_ =	shalt  }
0x71: {  	_ =	shalt  }
0x72: {  	_ =	shalt  }
0x73: {  	_ =	shalt  }
0x74: {  	_ =	shalt  }
0x75: {  	_ =	shalt  }
0x76: {  	_ =	shalt  }
0x77: {  	_ =	shalt  }
0x78: {  	_ =	shalt  }
0x79: {  	_ =	shalt  }
0x7a: {  	_ =	shalt  }
0x7b: {  	_ =	shalt  }
0x7c: {  	_ =	shalt  }
0x7d: {  	_ =	shalt  }
0x7e: {  	_ =	shalt  }
0x7f: {  	_ =	shalt  }
0x80: {  	_ =	shalt  }
0x81: {  	_ =	shalt  }
0x82: {  	_ =	shalt  }
0x83: {  	_ =	shalt  }
0x84: {  	_ =	shalt  }
0x85: {  	_ =	shalt  }
0x86: {  	_ =	shalt  }
0x87: {  	_ =	shalt  }
.Lfunc_end0:
.L_simem_size_0:
called_computation_lowered:
.L_overlay_start_0:
0x88: {  	s2 =	sld [smem:$0x3FD9]  }
0x89: {  	s3 =	sld [smem:$0x3FFE];
	_ =	sdelay $0x1  }
0x8a: {  	s1 =	srdreg.scid  }
0x8b: {  	s0 =	sand.u32 $0x1, s1  }
0x8c: {  	s17 =	sshll.u32 s0, $0xA;
	s2 =	sadd.s32 s3, s2  }
0x8d: {  	s2 =	sadd.s32 s2, s17  }
0x8e: {  	[smem:$0x3FC4] =	sst s2  }
0x8f: {  	_ = 	snop  }
0x90: {  	s2 =	sld [smem:$0x3FD0];
	(tm) =	ssettm $0x1  }
0x91: {  	s18 =	sld [smem:$0x3FFB];
	_ =	sdelay $0x3  }
0x92: {  	_ =	strace s18  }
0x93: {  	s3 =	sld [smem:$0x3FFC];
	_ =	sdelay $0x3  }
0x94: {  	_ =	strace s3  }
0x95: {  	s3 =	sld [smem:$0x3FFD];
	_ =	sdelay $0x3  }
0x96: {  	_ =	strace s3  }
0x97: {  	_ =	strace $0x8FFFFFFF  }
0x98: {  	s19 =	sld [smem:$0x3FDB];
	_ =	sdelay $0x1  }
0x99: {  	s4 =	simm.s32 $_scs_section_size  }
0x9a: {  	s5 =	simm.s32 $_size__tile_overlayer_lowered;
	s6 =	simm.s32 $_tile_overlayer_lowered  }
0x9b: {  	s22 =	simm.s32 $0x1BFF;
	s21 =	sshll.u32 s6, $0x1;
	s3 =	sadd.s32 s4, s19  }
0x9c: {  	s7 =	simm.s32 $0x0;
	s20 =	sshll.u32 s5, $0x1;
	s5 =	sadd.s32 s21, s3  }
0x9d: {  	[timem:s7], [sflag:s22] =	dma.local [hbm:s5], s20  }
0x9e: {  	_ =	swait.ge [sflag:s22], s20  }
0x9f: {  	s4 =	ssub.s32 $0x0, s20;
	[sflag:s22] =	ssyncset.done $0x0  }
0xa0: {  	[sflag:s22] =	ssyncadd.s32 s4;
	_ =	sdelay $0x1  }
0xa1: {  	s23 =	simm.s32 $0x1B8B  }
0xa2: {  	_ =	swait.ge [sflag:s23], $0x1  }
0xa3: {  	[sflag:s23] =	ssyncset.done $0x0  }
0xa4: {  	s25 =	simm.s32 $0x1B8E;
	s24 =	sld [smem:$0x3FFE];
	[sflag:s23] =	ssyncadd.s32 $0xFFFFFFFF  }
0xa5: {  	s26 =	simm.s32 $execute0_lowered;
	[smem:$0x3FD2] =	sst s25  }
0xa6: {  	s5 =	sshll.u32 s26, $0x1;
	_ =	strace $0x80000046;
	[dreg:$0x1] =	wrdreg $0xFFFFFFFF  }
0xa7: {  	s28 =	simm.s32 $_size_execute0_lowered;
	s3 =	sadd.s32 s3, s5;
	[dreg:$0x0] =	wrdreg $0x0  }
0xa8: {  	s5 =	sshll.u32 s28, $0x1;
	[dreg:$0x2] =	wrdreg s3  }
0xa9: {  	[dreg:$0x3] =	wrdreg s5  }
0xaa: {  	[dreg:$0x4] =	wrdreg $0xC0  }
0xab: {  	_ =	task [dreg:s7], $0x5FFFF  }
0xac: {  	[dreg:$0x1] =	wrdreg $0xFFFFFFFF  }
0xad: {  	[dreg:$0x0] =	wrdreg $0x60  }
0xae: {  	[dreg:$0x2] =	wrdreg s24  }
0xaf: {  	[dreg:$0x3] =	wrdreg s2  }
0xb0: {  	[dreg:$0x4] =	wrdreg $0x9  }
0xb1: {  	_ =	task.clear_ibuf [dreg:s7], $0x5FFFF;
	_ =	strace $0x90000046  }
0xb2: {  	s29 =	simm.s32 $0x9;
	_ =	strace $0x80000048  }
0xb3: {  	_ =	swait.ge [sflag:s29], $0x1  }
0xb4: {  	[sflag:s29] =	ssyncadd.s32 $0xFFFFFFFF  }
0xb5: {  	_ =	strace $0x90000048  }
0xb6: {  	_ =	sfence  }
0xb7: {  	s30 =	sld [smem:$0x0];
	_ =	sdelay $0x2  }
0xb8: {  	s31 =	sshll.u32 s1, $0xD;
	s1 =	sshrl.u32 s1, $0x2  }
0xb9: {  	s3 =	sand.u32 $0x4000, s31;
	s1 =	sadd.s32 s1, s30  }
0xba: {  	s0 =	sor.u32 s3, s0;
	s1 =	sshll.u32 s1, $0x11  }
0xbb: {  	s0 =	sor.u32 s1, s0  }
0xbc: {  	s0 =	sadd.s32 $0x8F2B, s0  }
0xbd: {  	[sflag:s0] =	ssyncadd.remote.s32 $0x1  }
0xbe: {  	_ =	sfence.sel $0xFFFF  }
0xbf: {  	[dreg:$0x0] =	wrdreg $0xFFFFFFFF;
	(pc) =	sbr.abs _section_cstart, $3  }
0xc0: {  	[dreg:$0x1] =	wrdreg $0xFFFFFFFF  }
0xc1: {  	_ =	task.clear_ibuf [dreg:s7], $0x2FFFF;
	_ =	strace $0x9FFFFFFF  }
0xc2: {  	(tm) =	ssettm $0x7FFFFFFF  }
0xc3: {  	_ =	shalt  }
tec
execute0_lowered:
.L_overlay_start_1:
0x0: {  	(tag) =	ssettag $0x1  }
0x1: {  	s3 =	rddreg [dreg:$0x0];
	s1 =	srdreg.scid  }
0x2: {  	s0 =	stileid.u32;
	s6 =	rddreg [dreg:$0x1];
	s8 =	simm.s32 $0x1  }
0x3: {  	s9 =	simm.s32 $0x2780;
	s10 =	simm.s32 $0x0;
	s4 =	sand.u32 $0x1, s1  }
0x4: {  	s29 =	sshrl.u32 s0, $0x2;
	s2 =	sshll.u32 s0, $0x8;
	s1 =	rddreg [dreg:$0x2]  }
0x5: {  	s5 =	smul.u32 $0x13C00, s29;
	s30 =	sshll.u32 s4, $0x7;
	s2 =	sand.u32 $0x300, s2  }
0x6: {  	s4 =	ssub.s32 $0x2, s4;
	s7 =	sor.u32 s30, s2;
	s2 =	simm.s32 $0x0  }
0x7: {  	s31 =	sshrl.u32 s4, $0x1;
	s5 =	sor.u32 s5, s7;
	[smem:$0x7FF] =	sst s2  }
0x8: {  	s7 =	ssub.s32 s4, s31;
	s5 =	sshrl.u32 s5, $0x3;
	_ =	strace $0x80000047  }
0x9: {  	s3 =	sadd.s32 s5, s3;
	s4 =	sadd.s32 s6, s5;
	s5 =	smax.u32 s7, $0x1  }
0xa: {  	v0 =	vimm.f32 $0.0e+00;
	v1 =	vimm.f32 $1.000000000e+00;
	s6 =	simm.s32 $0x80;
	s7 =	simm.s32 $0x400;
	s3 =	sadd.s32 $0x1C00, s3  }
.LBB2_1:
0xb: {  	[tilespmem:s2], [sflag:$0x1] =	stream.strided.gather [hbm4b:s3+s6], $0x2780, s7, s6, $0x38;
	[tilespmem:$0x4F00] =	vst v63  }
0xc: {  	_ =	swait.ge [sflag:s8], $0x2780  }
0xd: {  	[sflag:s8] =	ssyncset.done $0x0  }
0xe: {  	s11 =	simm.s32 $0x0;
	[sflag:s8] =	ssyncadd.s32 $0xFFFFD880  }
.LBB2_2:
0xf: {  	p0 =	sne.s32 s11, $0x9C00  }
.Ltmp0:
0x10: {  	_ = 	snop;
	(pc) =	sbr.rel @p0 .LBB2_2-.Ltmp0, $3  }
0x11: {  	_ =	sdelay $0x1  }
0x12: {  	s12 =	sshra.s32 s11, $0x2  }
0x13: {  	s11 =	sadd.s32 $0x40, s11;
	[tilespmem:s12+$0x2780] =	vst v0  }
0x14: {  	s12 =	simm.s32 $0x0;
	s11 =	simm.s32 $0x40  }
.LBB2_4:
0x15: {  	p0 =	sne.s32 s11, $0x9C00;
	v2 =	vld [tilespmem:s12+$0x0];
	_ =	sdelay $0x3  }
.Ltmp1:
0x16: {  	(pc) =	sbr.rel @p0 .LBB2_4-.Ltmp1, $2  }
0x17: {  	_ =	sdelay $0x2  }
0x18: {  	s12 =	sshra.s32 s11, $0x2;
	s11 =	sadd.s32 $0x40, s11;
	[tilespmem:v2+s9+$0x0] =	vst.idx.add.f32.msk $0xffff, v1  }
0x19: {  	v2 =	vld [tilespmem:s12+$0x0];
	_ =	sdelay $0x5  }
0x1a: {  	s10 =	sadd.s32 $0x1, s10  }
0x1b: {  	p0 =	sne.s32 s10, s5  }
.Ltmp2:
0x1c: {  	[tilespmem:v2+s9+$0x0] =	vst.idx.add.f32.msk $0xffff, v1;
	(pc) =	sbr.rel @p0 .LBB2_1-.Ltmp2, $4  }
0x1d: {  	[hbm4b:s4+s6] =	stream.strided.scatter [tilespmem:s9], [sflag:$0x1], $0x2780, s7, s6, $0x38;
	[tilespmem:$0x4F00] =	vst v63  }
0x1e: {  	_ =	swait.ge [sflag:s8], $0x2780  }
0x1f: {  	[sflag:s8] =	ssyncset.done $0x0  }
0x20: {  	[sflag:s8] =	ssyncadd.s32 $0xFFFFD880  }
0x21: {  	_ =	sfence.sel $0x180000  }
0x22: {  	[bflag:$0x0] =	sbarrier.arrive $0xFFFF  }
0x23: {  	p0 =	sne.s32 s0, $0x0;
	_ =	strace $0x90000047  }
0x24: {  	s0 =	sadd.s32 @!p0 $0x100000, s1;
	[bflag:$0x2] =	sbarrier.arrive $0xFFFF  }
0x25: {  	[sflag:s0] =	ssyncadd.tile.s32 @!p0 $0x1;
	_ =	shalt  }
.Lfunc_end2:
_tile_overlayer_lowered:
.L_overlay_start_2:
0x26: {  	(tag) =	ssettag $0x2  }
0x27: {  	s0 =	rddreg [dreg:$0x0];
	s2 =	stileid.u32  }
0x28: {  	s1 =	rddreg [dreg:$0x1];
	p0 =	sne.s32 s2, $0x0  }
0x29: {  	s3 =	rddreg [dreg:$0x2];
	[bflag:$0x3] =	sbarrier.arrive $0xFFFF;
	s2 =	simm.s32 @!p0 $0x1C01  }
0x2a: {  	[timem:s3], [sflag:s2] =	dma.local @!p0 [hbm:s0], s1  }
0x2b: {  	s0 =	simm.s32 @!p0 $0x1  }
0x2c: {  	_ =	swait.ge @!p0 [sflag:s0], s1  }
0x2d: {  	s1 =	ssub.s32 @!p0 $0x0, s1;
	[sflag:s0] =	ssyncset.done @!p0 $0x0  }
0x2e: {  	[sflag:s0] =	ssyncadd.s32 @!p0 s1  }
0x2f: {  	[bflag:$0x3] =	sbarrier.arrive $0xFFFF  }
0x30: {  	_ =	shalt  }

// kernel: kernel.9.cloned.1.call-start
scs
__scs_entry_jumppad:
0x0: {  	(pc) =	sbr.rel $0x88, $3  }
0x1: {  	(tag) =	ssettag $0x0;
	lr =	simm.s32 $0x1  }
0x2: {  	[smem:$0x3F9D] =	sst lr;
	_ =	strace $0xD0000000  }
0x3: {  	_ = 	snop  }
0x4: {  	_ = 	snop  }
0x5: {  	_ = 	snop  }
0x6: {  	_ = 	snop  }
0x7: {  	_ = 	snop  }
__scs_overlays_trampoline_lowered:
0x8: {  	[smem:$0x3FAC] =	sst s0  }
0x9: {  	[smem:$0x3FAD] =	sst s1  }
0xa: {  	[smem:$0x3FAE] =	sst s2  }
0xb: {  	[smem:$0x3FAF] =	sst s3  }
0xc: {  	[smem:$0x3FB0] =	sst s4  }
0xd: {  	[smem:$0x3FB1] =	sst s5  }
0xe: {  	[smem:$0x3FB2] =	sst s6  }
0xf: {  	[smem:$0x3FB3] =	sst s7  }
0x10: {  	[smem:$0x3FB4] =	sst s8  }
0x11: {  	[smem:$0x3FB5] =	sst s9;
	s0 =	simm.s32 @!p0 $0x0  }
0x12: {  	s1 =	sld [smem:$0x3F9B];
	s0 =	simm.s32 @p0 $0x1  }
0x13: {  	[smem:$0x3FB6] =	sst s0;
	s0 =	simm.s32 @!p1 $0x0  }
0x14: {  	s2 =	sld [smem:$0x3F9A];
	s0 =	simm.s32 @p1 $0x1  }
0x15: {  	[smem:$0x3FB7] =	sst s0;
	s0 =	simm.s32 @!p2 $0x0  }
0x16: {  	s3 =	sld [smem:$0x3FDB];
	s0 =	simm.s32 @p2 $0x1  }
0x17: {  	s4 =	simm.s32 $0x1BF5;
	[smem:$0x3FB9] =	sst s0  }
0x18: {  	s0 =	sld [smem:$0x3F9C];
	_ =	swait.ge [sflag:s4], $0x0  }
0x19: {  	s7 =	sld [smem:$0x3F9D]  }
0x1a: {  	s8 =	sadd.s32 $0xFFFFE003, lr  }
0x1b: {  	s9 =	sadd.s32 $0xFFFFFEF7, lr;
	s5 =	simm.s32 $0xFFFFFFFF;
	p2 =	slt.u32 s8, $0xFFFFF086  }
0x1c: {  	p1 =	slt.u32 s9, $0xF7A;
	s5 =	simm.s32 @!p2 $0x0  }
0x1d: {  	s5 =	simm.s32 @p1 $0x1;
	p0 =	seq.s32 s7, s2  }
0x1e: {  	s7 =	smul.u32 @!p0 $0xF7A, s2;
	p2 =	seq.s32 @!p0 s5, $0x0  }
0x1f: {  	s9 =	smul.u32 $0xF7A, s1;
	s8 =	simm.s32 @!p0 $0x1BF5;
	p2 =	por !p2, p0  }
0x20: {  	[sflag:s8] =	ssyncset.s32 @!p0 $0xFFFFF086;
	s6 =	sadd.s32 @!p0 s3, s7;
	s7 =	simm.s32 @!p0 $0x108  }
0x21: {  	s3 =	sadd.s32 s3, s9;
	s6 =	sadd.s32 @!p0 $0x88, s6;
	s7 =	simm.s32 @p2 $0x1082  }
0x22: {  	[simem:s7], [sflag:s8] =	dma.local @!p0 [hbm:s6], $0xF7A  }
0x23: {  	s9 =	sor.u32 $0xD0000000, s2;
	s6 =	simm.s32 $0x108;
	_ =	swait.ge @!p0 [sflag:s8], $0x0  }
0x24: {  	s3 =	sadd.s32 $0x88, s3;
	s6 =	simm.s32 @!p1 $0x1082;
	[sflag:s4] =	ssyncset.s32 $0xFFFFF086  }
0x25: {  	[simem:s6], [sflag:s4] =	dma.local [hbm:s3], $0xF7A  }
0x26: {  	[smem:$0x3F9D] =	sst s1;
	(tag) =	ssettag s2;
	_ =	strace s9  }
0x27: {  	s1 =	sld [smem:$0x3FAD]  }
0x28: {  	s2 =	sld [smem:$0x3FAE]  }
0x29: {  	s4 =	sld [smem:$0x3FB0]  }
0x2a: {  	p0 =	seq.s32 s5, $0x0;
	s5 =	sld [smem:$0x3FB1]  }
0x2b: {  	s6 =	sld [smem:$0x3FB2]  }
0x2c: {  	s7 =	sld [smem:$0x3FB3]  }
0x2d: {  	s3 =	simm.s32 $0x108;
	s8 =	sld [smem:$0x3FB4]  }
0x2e: {  	s3 =	simm.s32 @!p0 $0x1082;
	s9 =	sld [smem:$0x3FB5]  }
0x2f: {  	lr =	sadd.s32 s0, s3;
	s0 =	sld [smem:$0x3FAC]  }
0x30: {  	s3 =	sld [smem:$0x3FAF]  }
0x31: {  	[smem:$0x3FB8] =	sst s10  }
0x32: {  	s10 =	sld [smem:$0x3FB6];
	_ =	sdelay $0x3  }
0x33: {  	p0 =	seq.s32 s10, $0x1;
	s10 =	sld [smem:$0x3FB8];
	_ =	sdelay $0x3  }
0x34: {  	[smem:$0x3FB8] =	sst s10  }
0x35: {  	s10 =	sld [smem:$0x3FB7];
	_ =	sdelay $0x3  }
0x36: {  	p1 =	seq.s32 s10, $0x1;
	s10 =	sld [smem:$0x3FB8];
	_ =	sdelay $0x3  }
0x37: {  	[smem:$0x3FB8] =	sst s10  }
0x38: {  	s10 =	sld [smem:$0x3FB9]  }
0x39: {  	_ = 	snop;
	(pc) =	sbr.ind lr, $3  }
0x3a: {  	_ = 	snop  }
0x3b: {  	_ = 	snop  }
0x3c: {  	p2 =	seq.s32 s10, $0x1;
	s10 =	sld [smem:$0x3FB8]  }
0x3d: {  	_ =	shalt  }
0x3e: {  	_ =	shalt  }
0x3f: {  	_ =	shalt  }
0x40: {  	_ =	shalt  }
0x41: {  	_ =	shalt  }
0x42: {  	_ =	shalt  }
0x43: {  	_ =	shalt  }
0x44: {  	_ =	shalt  }
0x45: {  	_ =	shalt  }
0x46: {  	_ =	shalt  }
0x47: {  	_ =	shalt  }
0x48: {  	_ =	shalt  }
0x49: {  	_ =	shalt  }
0x4a: {  	_ =	shalt  }
0x4b: {  	_ =	shalt  }
0x4c: {  	_ =	shalt  }
0x4d: {  	_ =	shalt  }
0x4e: {  	_ =	shalt  }
0x4f: {  	_ =	shalt  }
0x50: {  	_ =	shalt  }
0x51: {  	_ =	shalt  }
0x52: {  	_ =	shalt  }
0x53: {  	_ =	shalt  }
0x54: {  	_ =	shalt  }
0x55: {  	_ =	shalt  }
0x56: {  	_ =	shalt  }
0x57: {  	_ =	shalt  }
0x58: {  	_ =	shalt  }
0x59: {  	_ =	shalt  }
0x5a: {  	_ =	shalt  }
0x5b: {  	_ =	shalt  }
0x5c: {  	_ =	shalt  }
0x5d: {  	_ =	shalt  }
0x5e: {  	_ =	shalt  }
0x5f: {  	_ =	shalt  }
0x60: {  	_ =	shalt  }
0x61: {  	_ =	shalt  }
0x62: {  	_ =	shalt  }
0x63: {  	_ =	shalt  }
0x64: {  	_ =	shalt  }
0x65: {  	_ =	shalt  }
0x66: {  	_ =	shalt  }
0x67: {  	_ =	shalt  }
0x68: {  	_ =	shalt  }
0x69: {  	_ =	shalt  }
0x6a: {  	_ =	shalt  }
0x6b: {  	_ =	shalt  }
0x6c: {  	_ =	shalt  }
0x6d: {  	_ =	shalt  }
0x6e: {  	_ =	shalt  }
0x6f: {  	_ =	shalt  }
0x70: {  	_ =	shalt  }
0x71: {  	_ =	shalt  }
0x72: {  	_ =	shalt  }
0x73: {  	_ =	shalt  }
0x74: {  	_ =	shalt  }
0x75: {  	_ =	shalt  }
0x76: {  	_ =	shalt  }
0x77: {  	_ =	shalt  }
0x78: {  	_ =	shalt  }
0x79: {  	_ =	shalt  }
0x7a: {  	_ =	shalt  }
0x7b: {  	_ =	shalt  }
0x7c: {  	_ =	shalt  }
0x7d: {  	_ =	shalt  }
0x7e: {  	_ =	shalt  }
0x7f: {  	_ =	shalt  }
0x80: {  	_ =	shalt  }
0x81: {  	_ =	shalt  }
0x82: {  	_ =	shalt  }
0x83: {  	_ =	shalt  }
0x84: {  	_ =	shalt  }
0x85: {  	_ =	shalt  }
0x86: {  	_ =	shalt  }
0x87: {  	_ =	shalt  }
.Lfunc_end0:
.L_simem_size_0:
called_computation.1_lowered:
.L_overlay_start_0:
0x88: {  	s2 =	sld [smem:$0x3FD9]  }
0x89: {  	s3 =	sld [smem:$0x3FFE];
	_ =	sdelay $0x1  }
0x8a: {  	s1 =	srdreg.scid  }
0x8b: {  	s0 =	sand.u32 $0x1, s1  }
0x8c: {  	s17 =	sshll.u32 s0, $0xA;
	s2 =	sadd.s32 s3, s2  }
0x8d: {  	s2 =	sadd.s32 s2, s17  }
0x8e: {  	[smem:$0x3FC4] =	sst s2  }
0x8f: {  	_ = 	snop  }
0x90: {  	s2 =	sld [smem:$0x3FD0];
	(tm) =	ssettm $0x1  }
0x91: {  	s18 =	sld [smem:$0x3FFB];
	_ =	sdelay $0x3  }
0x92: {  	_ =	strace s18  }
0x93: {  	s3 =	sld [smem:$0x3FFC];
	_ =	sdelay $0x3  }
0x94: {  	_ =	strace s3  }
0x95: {  	s3 =	sld [smem:$0x3FFD];
	_ =	sdelay $0x3  }
0x96: {  	_ =	strace s3  }
0x97: {  	_ =	strace $0x8FFFFFFF  }
0x98: {  	s19 =	sld [smem:$0x3FDB];
	_ =	sdelay $0x1  }
0x99: {  	s4 =	simm.s32 $_scs_section_size  }
0x9a: {  	s5 =	simm.s32 $_size__tile_overlayer_lowered;
	s6 =	simm.s32 $_tile_overlayer_lowered  }
0x9b: {  	s22 =	simm.s32 $0x1BFF;
	s21 =	sshll.u32 s6, $0x1;
	s3 =	sadd.s32 s4, s19  }
0x9c: {  	s7 =	simm.s32 $0x0;
	s20 =	sshll.u32 s5, $0x1;
	s5 =	sadd.s32 s21, s3  }
0x9d: {  	[timem:s7], [sflag:s22] =	dma.local [hbm:s5], s20  }
0x9e: {  	_ =	swait.ge [sflag:s22], s20  }
0x9f: {  	s4 =	ssub.s32 $0x0, s20;
	[sflag:s22] =	ssyncset.done $0x0  }
0xa0: {  	[sflag:s22] =	ssyncadd.s32 s4;
	_ =	sdelay $0x1  }
0xa1: {  	s23 =	simm.s32 $0x1B8B  }
0xa2: {  	_ =	swait.ge [sflag:s23], $0x1  }
0xa3: {  	[sflag:s23] =	ssyncset.done $0x0  }
0xa4: {  	s25 =	simm.s32 $0x1B8E;
	s24 =	sld [smem:$0x3FFE];
	[sflag:s23] =	ssyncadd.s32 $0xFFFFFFFF  }
0xa5: {  	s26 =	simm.s32 $execute0_lowered;
	[smem:$0x3FD2] =	sst s25  }
0xa6: {  	s5 =	sshll.u32 s26, $0x1;
	_ =	strace $0x80000049;
	[dreg:$0x1] =	wrdreg $0xFFFFFFFF  }
0xa7: {  	s28 =	simm.s32 $_size_execute0_lowered;
	s3 =	sadd.s32 s3, s5;
	[dreg:$0x0] =	wrdreg $0x0  }
0xa8: {  	s5 =	sshll.u32 s28, $0x1;
	[dreg:$0x2] =	wrdreg s3  }
0xa9: {  	[dreg:$0x3] =	wrdreg s5  }
0xaa: {  	[dreg:$0x4] =	wrdreg $0xC0  }
0xab: {  	_ =	task [dreg:s7], $0x5FFFF  }
0xac: {  	[dreg:$0x1] =	wrdreg $0xFFFFFFFF  }
0xad: {  	[dreg:$0x0] =	wrdreg $0x60  }
0xae: {  	[dreg:$0x2] =	wrdreg s24  }
0xaf: {  	[dreg:$0x3] =	wrdreg s2  }
0xb0: {  	[dreg:$0x4] =	wrdreg $0xB7000  }
0xb1: {  	[dreg:$0x5] =	wrdreg $0x9  }
0xb2: {  	_ =	task.clear_ibuf [dreg:s7], $0x6FFFF;
	_ =	strace $0x90000049  }
0xb3: {  	s29 =	simm.s32 $0x9;
	_ =	strace $0x8000004B  }
0xb4: {  	_ =	swait.ge [sflag:s29], $0x1  }
0xb5: {  	[sflag:s29] =	ssyncadd.s32 $0xFFFFFFFF  }
0xb6: {  	_ =	strace $0x9000004B  }
0xb7: {  	_ =	sfence  }
0xb8: {  	s30 =	sld [smem:$0x0];
	_ =	sdelay $0x2  }
0xb9: {  	s31 =	sshll.u32 s1, $0xD;
	s1 =	sshrl.u32 s1, $0x2  }
0xba: {  	s3 =	sand.u32 $0x4000, s31;
	s1 =	sadd.s32 s1, s30  }
0xbb: {  	s0 =	sor.u32 s3, s0;
	s1 =	sshll.u32 s1, $0x11  }
0xbc: {  	s0 =	sor.u32 s1, s0  }
0xbd: {  	s0 =	sadd.s32 $0x8F2B, s0  }
0xbe: {  	[sflag:s0] =	ssyncadd.remote.s32 $0x1  }
0xbf: {  	_ =	sfence.sel $0xFFFF  }
0xc0: {  	[dreg:$0x0] =	wrdreg $0xFFFFFFFF;
	(pc) =	sbr.abs _section_cstart, $3  }
0xc1: {  	[dreg:$0x1] =	wrdreg $0xFFFFFFFF  }
0xc2: {  	_ =	task.clear_ibuf [dreg:s7], $0x2FFFF;
	_ =	strace $0x9FFFFFFF  }
0xc3: {  	(tm) =	ssettm $0x7FFFFFFF  }
tec
execute0_lowered:
.L_overlay_start_1:
0x0: {  	(tag) =	ssettag $0x1  }
0x1: {  	s6 =	rddreg [dreg:$0x0]  }
0x2: {  	s1 =	rddreg [dreg:$0x1]  }
0x3: {  	s2 =	rddreg [dreg:$0x2]  }
0x4: {  	s3 =	srdreg.scid;
	s0 =	stileid.u32;
	s11 =	simm.s32 $0x400  }
0x5: {  	s12 =	simm.s32 $0x3;
	s13 =	simm.s32 $0x2780;
	s16 =	simm.s32 $0x60  }
0x6: {  	s17 =	simm.s32 $0x4F00;
	s18 =	simm.s32 $0x1;
	s19 =	simm.s32 $0x7F00  }
0x7: {  	s20 =	simm.s32 $0x2;
	s21 =	simm.s32 $0x26A0;
	s22 =	simm.s32 $0x4DC0  }
0x8: {  	s23 =	simm.s32 $0x4E20;
	s24 =	simm.s32 $0x10;
	s28 =	simm.s32 $0x4E80  }
0x9: {  	s29 =	simm.s32 $0x0;
	s5 =	sand.u32 $0x1, s3;
	s26 =	smul.u32 $0x13C00, s0  }
0xa: {  	s25 =	sshrl.u32 s0, $0x2;
	s4 =	sshll.u32 s0, $0x8;
	s10 =	smul.u32 $0x4F000, s0  }
0xb: {  	s14 =	sshll.u32 s0, $0x6;
	s7 =	smul.u32 $0x13C00, s25;
	s8 =	sshll.u32 s5, $0x7  }
0xc: {  	s4 =	sand.u32 $0x300, s4;
	s9 =	smul.u32 $0x13C000, s5;
	s30 =	ssub.s32 $0x2, s5  }
0xd: {  	s5 =	sadd.s32 $0x15800, s6;
	s14 =	sor.u32 $0x1C03, s14;
	s25 =	simm.s32 $0x2700  }
0xe: {  	s8 =	sor.u32 s8, s4;
	s4 =	simm.s32 $0x0;
	s31 =	sshrl.u32 s30, $0x1  }
0xf: {  	s10 =	sshrl.u32 s10, $0x2;
	s7 =	sor.u32 s7, s8;
	[smem:$0x7FF] =	sst s4  }
0x10: {  	s8 =	sadd.s32 s26, s9;
	s9 =	ssub.s32 s30, s31;
	s15 =	sadd.s32 s10, s2  }
0x11: {  	s10 =	simm.s32 $0x80;
	s26 =	simm.s32 $0xAF00;
	s7 =	sshrl.u32 s7, $0x3  }
0x12: {  	_ =	strace $0x8000004A;
	s8 =	sshrl.u32 s8, $0x3;
	s9 =	smax.u32 s9, $0x1  }
0x13: {  	s15 =	sshrl.u32 s15, $0x3;
	s7 =	sadd.s32 s7, s6;
	s8 =	sadd.s32 s8, s6  }
0x14: {  	s6 =	sadd.s32 $0xBA00, s7;
	s7 =	sadd.s32 $0x1C00, s7;
	s8 =	sadd.s32 $0x18000, s8  }
.LBB2_1:
0x15: {  	[tilespmem:s4], [sflag:$0x3] =	stream.strided.gather [hbm4b:s6+s10], $0x2780, s11, s10, $0x38;
	[tilespmem:$0x1F300] =	vst v63  }
0x16: {  	_ =	swait.ge [sflag:s12], $0x2780  }
0x17: {  	[sflag:s12] =	ssyncset.done $0x0  }
0x18: {  	[sflag:s12] =	ssyncadd.s32 $0xFFFFD880  }
0x19: {  	[tilespmem:s13], [sflag:$0x3] =	stream.strided.gather [hbm4b:s7+s10], $0x2780, s11, s10, $0x38;
	[tilespmem:$0x1F300] =	vst v63  }
0x1a: {  	_ =	swait.ge [sflag:s12], $0x2780  }
0x1b: {  	[sflag:s12] =	ssyncset.done $0x0  }
0x1c: {  	[sflag:s12] =	ssyncadd.s32 $0xFFFFD880  }
0x1d: {  	[spmem:s15], [sflag:s14] =	dma.local [hbm:s5], $0x2780  }
0x1e: {  	_ =	swait.ge [sflag:s12], $0x2780  }
0x1f: {  	[sflag:s12] =	ssyncset.done $0x0  }
0x20: {  	[sflag:s12] =	ssyncadd.s32 $0xFFFFD880  }
0x21: {  	[bflag:$0x0] =	sbarrier.arrive $0xFFFF  }
0x22: {  	[tilespmem:s17], [sflag:$0x1] =	stream.indirect.gather [hbm4b:s1+s16], $0x80, s4, s16, $0xb8;
	[tilespmem:$0x1F300] =	vst v63  }
0x23: {  	_ =	swait.ge [sflag:s18], $0x3000  }
0x24: {  	[sflag:s18] =	ssyncset.done $0x0  }
0x25: {  	s30 =	simm.s32 $0x60;
	[sflag:s18] =	ssyncadd.s32 $0xFFFFD000  }
0x26: {  	[tilespmem:s19], [sflag:$0x2] =	stream.indirect.gather [hbm4b:s1+s16], $0x80, s30, s16, $0xb8;
	[tilespmem:$0x1F300] =	vst v63  }
0x27: {  	s30 =	simm.s32 $0x2780  }
0x28: {  	[spmem:s2] =	stream.indirect.scatter.add.f32 [tilespmem:s17], [sflag:$0x3], $0x80, s30, s16, $0xb8;
	[tilespmem:$0x1F300] =	vst v63  }
0x29: {  	_ =	swait.ge [sflag:s12], $0x3000  }
0x2a: {  	[sflag:s12] =	ssyncset.done $0x0  }
0x2b: {  	[sflag:s12] =	ssyncadd.s32 $0xFFFFD000  }
0x2c: {  	_ =	swait.ge [sflag:s20], $0x3000  }
0x2d: {  	[sflag:s20] =	ssyncset.done $0x0  }
0x2e: {  	s30 =	simm.s32 $0xC0;
	[sflag:s20] =	ssyncadd.s32 $0xFFFFD000  }
0x2f: {  	[tilespmem:s17], [sflag:$0x1] =	stream.indirect.gather [hbm4b:s1+s16], $0x80, s30, s16, $0xb8;
	[tilespmem:$0x1F300] =	vst v63  }
0x30: {  	s30 =	simm.s32 $0x27E0  }
0x31: {  	[spmem:s2] =	stream.indirect.scatter.add.f32 [tilespmem:s19], [sflag:$0x3], $0x80, s30, s16, $0xb8;
	[tilespmem:$0x1F300] =	vst v63  }
0x32: {  	_ =	swait.ge [sflag:s12], $0x3000  }
0x33: {  	s30 =	simm.s32 $0x300;
	[sflag:s12] =	ssyncset.done $0x0  }
.LBB2_2:
0x34: {  	p0 =	sne.s32 s30, $0x9600  }
0x35: {  	[sflag:s12] =	ssyncadd.s32 $0xFFFFD000;
	s31 =	smov.u32 s30;
	s30 =	sadd.s32 $0x300, s30  }
0x36: {  	_ = 	snop  }
0x37: {  	_ =	swait.ge [sflag:s18], $0x3000  }
0x38: {  	s31 =	sshra.s32 s31, $0x2;
	[sflag:s18] =	ssyncset.done $0x0  }
0x39: {  	s3 =	sadd.s32 $0x60, s31;
	[sflag:s18] =	ssyncadd.s32 $0xFFFFD000  }
0x3a: {  	[tilespmem:s19], [sflag:$0x2] =	stream.indirect.gather [hbm4b:s1+s16], $0x80, s3, s16, $0xb8;
	[tilespmem:$0x1F300] =	vst v63  }
0x3b: {  	s3 =	sadd.s32 $0x2780, s31  }
0x3c: {  	[spmem:s2] =	stream.indirect.scatter.add.f32 [tilespmem:s17], [sflag:$0x3], $0x80, s3, s16, $0xb8;
	[tilespmem:$0x1F300] =	vst v63  }
0x3d: {  	_ =	swait.ge [sflag:s12], $0x3000  }
0x3e: {  	[sflag:s12] =	ssyncset.done $0x0  }
0x3f: {  	[sflag:s12] =	ssyncadd.s32 $0xFFFFD000  }
0x40: {  	_ =	swait.ge [sflag:s20], $0x3000  }
0x41: {  	[sflag:s20] =	ssyncset.done $0x0  }
0x42: {  	s3 =	sadd.s32 $0xC0, s31;
	[sflag:s20] =	ssyncadd.s32 $0xFFFFD000  }
0x43: {  	[tilespmem:s17], [sflag:$0x1] =	stream.indirect.gather [hbm4b:s1+s16], $0x80, s3, s16, $0xb8;
	[tilespmem:$0x1F300] =	vst v63  }
.Ltmp0:
0x44: {  	_ = 	snop;
	(pc) =	sbr.rel @p0 .LBB2_2-.Ltmp0, $4  }
0x45: {  	s3 =	sadd.s32 $0x27E0, s31  }
0x46: {  	[spmem:s2] =	stream.indirect.scatter.add.f32 [tilespmem:s19], [sflag:$0x3], $0x80, s3, s16, $0xb8;
	[tilespmem:$0x1F300] =	vst v63  }
0x47: {  	_ =	swait.ge [sflag:s12], $0x3000  }
0x48: {  	[sflag:s12] =	ssyncset.done $0x0  }
0x49: {  	[sflag:s12] =	ssyncadd.s32 $0xFFFFD000  }
0x4a: {  	_ =	swait.ge [sflag:s18], $0x3000  }
0x4b: {  	[sflag:s18] =	ssyncset.done $0x0  }
0x4c: {  	[sflag:s18] =	ssyncadd.s32 $0xFFFFD000  }
0x4d: {  	[tilespmem:s19], [sflag:$0x2] =	stream.indirect.gather [hbm4b:s1+s16], $0x80, s21, s16, $0xb8;
	[tilespmem:$0x1F300] =	vst v63  }
0x4e: {  	_ = 	snop  }
0x4f: {  	[spmem:s2] =	stream.indirect.scatter.add.f32 [tilespmem:s17], [sflag:$0x3], $0x80, s22, s16, $0xb8;
	[tilespmem:$0x1F300] =	vst v63  }
0x50: {  	_ =	swait.ge [sflag:s12], $0x3000  }
0x51: {  	[sflag:s12] =	ssyncset.done $0x0  }
0x52: {  	[sflag:s12] =	ssyncadd.s32 $0xFFFFD000  }
0x53: {  	_ =	swait.ge [sflag:s20], $0x3000  }
0x54: {  	[sflag:s20] =	ssyncset.done $0x0  }
0x55: {  	[sflag:s20] =	ssyncadd.s32 $0xFFFFD000  }
0x56: {  	[spmem:s2] =	stream.indirect.scatter.add.f32 [tilespmem:s19], [sflag:$0x3], $0x80, s23, s16, $0xb8;
	[tilespmem:$0x1F300] =	vst v63  }
0x57: {  	_ =	swait.ge [sflag:s12], $0x3000  }
0x58: {  	[sflag:s12] =	ssyncset.done $0x0  }
0x59: {  	[sflag:s12] =	ssyncadd.s32 $0xFFFFD000  }
0x5a: {  	[tilespmem:s26], [sflag:$0x1] =	stream.indirect.gather [hbm4b:s1+s24], $0x80, s25, s24, $0xb8;
	[tilespmem:$0x1F300] =	vst v63  }
0x5b: {  	_ =	swait.ge [sflag:s18], $0x800  }
0x5c: {  	[sflag:s18] =	ssyncset.done $0x0  }
0x5d: {  	[sflag:s18] =	ssyncadd.s32 $0xFFFFF800  }
0x5e: {  	[spmem:s2] =	stream.indirect.scatter.add.f32 [tilespmem:s26], [sflag:$0x3], $0x80, s28, s24, $0xb8;
	[tilespmem:$0x1F300] =	vst v63  }
0x5f: {  	_ =	swait.ge [sflag:s12], $0x800  }
0x60: {  	s29 =	sadd.s32 $0x1, s29;
	[sflag:s12] =	ssyncset.done $0x0  }
0x61: {  	p0 =	sne.s32 s29, s9;
	[sflag:s12] =	ssyncadd.s32 $0xFFFFF800  }
.Ltmp1:
0x62: {  	[bflag:$0x0] =	sbarrier.arrive $0xFFFF;
	(pc) =	sbr.rel @p0 .LBB2_1-.Ltmp1, $4  }
0x63: {  	[hbm:s8], [sflag:s14] =	dma.local [spmem:s15], $0x2780  }
0x64: {  	_ =	swait.ge [sflag:s12], $0x2780  }
0x65: {  	[sflag:s12] =	ssyncset.done $0x0  }
0x66: {  	[sflag:s12] =	ssyncadd.s32 $0xFFFFD880  }
0x67: {  	_ =	sfence.sel $0x180000  }
0x68: {  	[bflag:$0x0] =	sbarrier.arrive $0xFFFF  }
0x69: {  	_ =	strace $0x9000004A  }
0x6a: {  	[bflag:$0x2] =	sbarrier.arrive $0xFFFF  }
0x6b: {  	p0 =	sne.s32 s0, $0x0;
	s0 =	rddreg [dreg:$0x3]  }
0x6c: {  	s0 =	sadd.s32 @!p0 $0x100000, s0  }
0x6d: {  	[sflag:s0] =	ssyncadd.tile.s32 @!p0 $0x1;
	_ =	shalt  }
.Lfunc_end2:
_tile_overlayer_lowered:
.L_overlay_start_2:
0x6e: {  	(tag) =	ssettag $0x2  }
0x6f: {  	s0 =	rddreg [dreg:$0x0];
	s2 =	stileid.u32  }
0x70: {  	s1 =	rddreg [dreg:$0x1];
	p0 =	sne.s32 s2, $0x0  }
0x71: {  	s3 =	rddreg [dreg:$0x2];
	[bflag:$0x3] =	sbarrier.arrive $0xFFFF;
	s2 =	simm.s32 @!p0 $0x1C03  }
0x72: {  	[timem:s3], [sflag:s2] =	dma.local @!p0 [hbm:s0], s1  }
0x73: {  	s0 =	simm.s32 @!p0 $0x3  }
0x74: {  	_ =	swait.ge @!p0 [sflag:s0], s1  }
0x75: {  	s1 =	ssub.s32 @!p0 $0x0, s1;
	[sflag:s0] =	ssyncset.done @!p0 $0x0  }
0x76: {  	[sflag:s0] =	ssyncadd.s32 @!p0 s1  }
0x77: {  	[bflag:$0x3] =	sbarrier.arrive $0xFFFF  }
0x78: {  	_ =	shalt  }

</sc_bundles>
